<compile_context>
chip_gen: v7x
topology: tpu7x:2x2x1
jax: 0.10.2.dev20260603
libtpu: 0.0.44.dev20260713+nightly
codegen_flags: <defaults>
</compile_context>

<pallas_src>
import functools

import jax
import jax.numpy as jnp
from jax import lax
from jax.experimental import pallas as pl
from jax.experimental.pallas import tpu as pltpu
from jax.experimental.pallas import tpu_sc as plsc

f32 = jnp.float32

D = 128
NC, NS, L = 2, 16, 16
NW = NC * NS
CHUNK = 128
NPAD = 10240
SLAB = NPAD // NS
N = 10000
TRASH = N


def _sc_body(with_cnt, n_chunks, ept, *refs):
  if with_cnt:
    (h, srci, dsti, zrows, orows,
     out, cntout,
     vsrc, vdst2, vrows, vone, acc, sem) = refs
  else:
    (h, srci, dsti, zrows,
     out,
     vsrc, vdst2, vrows, acc, sem) = refs
    vone = cntout = orows = None
  c = lax.axis_index("c")
  s = lax.axis_index("s")
  t = c * NS + s

  pltpu.sync_copy(zrows, vrows)

  def zbody(j, carry):
    r = s * SLAB + j * CHUNK
    pltpu.sync_copy(vrows, acc.at[pl.ds(r, CHUNK)])
    return carry

  lax.fori_loop(0, SLAB // CHUNK, zbody, 0)
  if with_cnt:
    pltpu.sync_copy(orows, vone)
  plsc.subcore_barrier()

  def ebody(i, carry):
    base = t * ept + i * CHUNK
    pltpu.sync_copy(srci.at[pl.ds(base, CHUNK)], vsrc)
    pltpu.sync_copy(dsti.at[pl.ds(base, CHUNK)], vdst2)
    pltpu.async_copy(h.at[vsrc], vrows, sem).wait()
    pltpu.sync_copy(vrows, acc.at[vdst2], add=True)
    return carry

  lax.fori_loop(0, n_chunks, ebody, 0)
  plsc.subcore_barrier()

  def obody(dst_hbm, j, carry):
    r = s * SLAB + j * CHUNK
    pltpu.sync_copy(acc.at[pl.ds(r, CHUNK)], vrows)
    pltpu.sync_copy(vrows, dst_hbm.at[c, pl.ds(r, CHUNK)])
    return carry

  lax.fori_loop(0, SLAB // CHUNK, functools.partial(obody, out), 0)

  if with_cnt:
    plsc.subcore_barrier()
    pltpu.sync_copy(zrows, vrows)
    lax.fori_loop(0, SLAB // CHUNK, zbody, 0)
    plsc.subcore_barrier()

    def cbody(i, carry):
      base = t * ept + i * CHUNK
      pltpu.sync_copy(dsti.at[pl.ds(base, CHUNK)], vdst2)
      pltpu.sync_copy(vone, acc.at[vdst2], add=True)
      return carry

    lax.fori_loop(0, n_chunks, cbody, 0)
    plsc.subcore_barrier()
    lax.fori_loop(0, SLAB // CHUNK, functools.partial(obody, cntout), 0)


@functools.lru_cache(maxsize=None)
def _build_agg(epad, with_cnt):
  ept = epad // NW
  n_chunks = ept // CHUNK
  out_type = [jax.ShapeDtypeStruct((NC, NPAD, D), f32)]
  scratch = [
      pltpu.VMEM((CHUNK,), jnp.int32),
      pltpu.VMEM((CHUNK,), jnp.int32),
      pltpu.VMEM((CHUNK, D), f32),
  ]
  if with_cnt:
    out_type.append(jax.ShapeDtypeStruct((NC, NPAD, D), f32))
    scratch.append(pltpu.VMEM((CHUNK, D), f32))
  scratch.append(pltpu.VMEM_SHARED((NPAD, D), f32))
  scratch.append(pltpu.SemaphoreType.DMA)
  mesh = plsc.VectorSubcoreMesh(core_axis_name="c", subcore_axis_name="s")
  return pl.kernel(
      functools.partial(_sc_body, with_cnt, n_chunks, ept),
      out_type=out_type,
      mesh=mesh,
      scratch_types=scratch,
  )


def _tc_body(relu, p_ref, cnt_ref, h_ref, w_ref, b_ref, o_ref):
  s = p_ref[0] + p_ref[1] + h_ref[...]
  mean = s / cnt_ref[...]
  y = lax.dot_general(mean, w_ref[...], (((1,), (1,)), ((), ())),
                      preferred_element_type=f32) + b_ref[...]
  if relu:
    y = jnp.maximum(y, 0.0)
  o_ref[...] = y


BR = 2000


@functools.lru_cache(maxsize=None)
def _build_layer(relu):
  return pl.pallas_call(
      functools.partial(_tc_body, relu),
      grid=(N // BR,),
      in_specs=[
          pl.BlockSpec((NC, BR, D), lambda g: (0, g, 0)),
          pl.BlockSpec((BR, 1), lambda g: (g, 0)),
          pl.BlockSpec((BR, D), lambda g: (g, 0)),
          pl.BlockSpec((D, D), lambda g: (0, 0)),
          pl.BlockSpec((1, D), lambda g: (0, 0)),
      ],
      out_specs=pl.BlockSpec((BR, D), lambda g: (g, 0)),
      out_shape=jax.ShapeDtypeStruct((N, D), f32),
  )


def kernel(x, edge_index, W1, b1, W2, b2):
  e = edge_index.shape[1]
  epad = -(-e // (NW * CHUNK)) * (NW * CHUNK)
  src = jnp.pad(edge_index[0].astype(jnp.int32), (0, epad - e))
  dst = jnp.pad(edge_index[1].astype(jnp.int32), (0, epad - e))
  dst = jnp.where(src == dst, TRASH, dst)
  zrows = jnp.zeros((CHUNK, D), f32)
  orows = jnp.ones((CHUNK, D), f32)

  agg1, cntg = _build_agg(epad, True)(x, src, dst, zrows, orows)
  cnt = (cntg[0, :N, 0] + cntg[1, :N, 0] + 1.0).reshape(N, 1)
  h1 = _build_layer(True)(agg1, cnt, x, W1, b1.reshape(1, D))
  (agg2,) = _build_agg(epad, False)(h1, src, dst, zrows)
  return _build_layer(False)(agg2, cnt, h1, W2, b2.reshape(1, D))

# --- scband reference (transcript-rebuilt; emitter-appended) ---
"""Pipeline reference for scband-sagecluster-29137058136186 (READ-ONLY COPY).

The authoritative reference and input builder live on the scoring server;
editing this copy changes nothing except your own understanding.
"""

import jax, jax.numpy as jnp
import numpy as np

N_NODES = 10000
N_EDGES = 320000
D = 128


def _add_remaining_self_loops(edge_index, num_nodes):
    # PyG add_remaining_self_loops: drop existing self-loops, append one loop per node.
    # Fixed-shape version: keep all original edges but zero-weight the self-loops,
    # then append the full diagonal with weight 1.
    src, dst = edge_index[0], edge_index[1]
    keep_w = (src != dst).astype(jnp.float32)
    loop = jnp.arange(num_nodes, dtype=edge_index.dtype)
    src_full = jnp.concatenate([src, loop])
    dst_full = jnp.concatenate([dst, loop])
    w = jnp.concatenate([keep_w, jnp.ones(num_nodes, dtype=jnp.float32)])
    return src_full, dst_full, w


def _sage_conv(x, src, dst, w, W, b, num_nodes):
    # SAGEConv with root_weight=False: out = Linear(mean_{j in N(i)} x_j)
    msg = jnp.take(x, src, axis=0) * w[:, None]
    s = jax.ops.segment_sum(msg, dst, num_segments=num_nodes)
    cnt = jax.ops.segment_sum(w, dst, num_segments=num_nodes)
    mean = s / jnp.clip(cnt, 1.0)[:, None]
    return mean @ W.T + b


def setup_inputs(seed: int = 0) -> dict:
    key = jax.random.key(seed)
    k1, k2, k3, k4, k5, k6 = jax.random.split(key, 6)
    x = jax.random.normal(k1, (N_NODES, D), dtype=jnp.float32)
    edge_index = jax.random.randint(k2, (2, N_EDGES), 0, N_NODES, dtype=jnp.int64)
    scale = 1.0 / np.sqrt(D)
    W1 = jax.random.normal(k3, (D, D), dtype=jnp.float32) * scale
    b1 = jax.random.normal(k4, (D,), dtype=jnp.float32) * 0.01
    W2 = jax.random.normal(k5, (D, D), dtype=jnp.float32) * scale
    b2 = jax.random.normal(k6, (D,), dtype=jnp.float32) * 0.01
    return {"x": x, "edge_index": edge_index, "W1": W1, "b1": b1, "W2": W2, "b2": b2}


def reference(x, edge_index, W1, b1, W2, b2):
    num_nodes = x.shape[0]
    src, dst, w = _add_remaining_self_loops(edge_index, num_nodes)
    y = _sage_conv(x, src, dst, w, W1, b1, num_nodes)
    y = jax.nn.relu(y)
    y = _sage_conv(y, src, dst, w, W2, b2, num_nodes)
    return y

if __name__ == "__main__":
    import jax
    _d = setup_inputs()
    print(jax.jit(kernel)(*tuple(_d.values())))

</pallas_src>

<mosaic_0001>
#map = affine_map<(d0, d1) -> (0, 0)>
#map1 = affine_map<(d0, d1) -> (0)>
#map2 = affine_map<(d0, d1) -> (0, 0, 0)>
module attributes {stable_mosaic.version = 14 : i64} {
  func.func @_sc_body(%arg0: i32, %arg1: i32, %arg2: memref<10000x128xf32, #tpu.memory_space<hbm>>, %arg3: memref<323584xi32, #tpu.memory_space<hbm>>, %arg4: memref<323584xi32, #tpu.memory_space<hbm>>, %arg5: memref<128x128xf32, #tpu.memory_space<hbm>>, %arg6: memref<128x128xf32, #tpu.memory_space<hbm>>, %arg7: memref<2x10240x128xf32, #tpu.memory_space<hbm>>, %arg8: memref<2x10240x128xf32, #tpu.memory_space<hbm>>, %arg9: memref<128xi32, #tpu.memory_space<vmem>>, %arg10: memref<128xi32, #tpu.memory_space<vmem>>, %arg11: memref<128x128xf32, #tpu.memory_space<vmem>>, %arg12: memref<128x128xf32, #tpu.memory_space<vmem>>, %arg13: memref<10240x128xf32, #tpu.memory_space<vmem_shared>>, %arg14: memref<!tpu.dma_semaphore, #tpu.memory_space<semaphore_mem>>) attributes {dimension_semantics = [#tpu.dimension_semantics<core_parallel>, #tpu.dimension_semantics<subcore_parallel>], iteration_bounds = array<i64: 2, 16>, scalar_prefetch = 0 : i64, scratch_operands = 6 : i64, tpu.core_type = #tpu.core_type<sc_vector_subcore>, window_params = [{transform_indices = #map}, {transform_indices = #map1}, {transform_indices = #map1}, {transform_indices = #map}, {transform_indices = #map}, {transform_indices = #map2}, {transform_indices = #map2}]} {
    %mul3A = arith.constant 16 : i32
    %mul3A_0 = arith.muli %arg0, %mul3A : i32
    %add3A = arith.addi %mul3A_0, %arg1 : i32
    "tpu.region"() ({
      %run_scoped3A = tpu.sem_alloc : memref<!tpu.dma_semaphore, #tpu.memory_space<semaphore_mem>>
      tpu.enqueue_dma source(%arg5 : memref<128x128xf32, #tpu.memory_space<hbm>>) target(%arg11 : memref<128x128xf32, #tpu.memory_space<vmem>>) target_semaphore(%run_scoped3A : memref<!tpu.dma_semaphore, #tpu.memory_space<semaphore_mem>>)
      tpu.wait_dma2 semaphore(%run_scoped3A : memref<!tpu.dma_semaphore, #tpu.memory_space<semaphore_mem>>) src(%arg5 : memref<128x128xf32, #tpu.memory_space<hbm>>) dst(%arg11 : memref<128x128xf32, #tpu.memory_space<vmem>>)
      tpu.yield
    }) : () -> ()
    %scan3A = arith.constant 0 : i32
    %scan3A_1 = arith.constant 0 : i32
    %scan3A_2 = arith.constant 5 : i32
    %scan3A_3 = arith.addi %scan3A_1, %scan3A_2 : i32
    %scan3A_4 = arith.constant 1 : i32
    scf.for %scan3A_40 = %scan3A_1 to %scan3A_3 step %scan3A_4  : i32 {
      %mul3A_41 = arith.constant 640 : i32
      %mul3A_42 = arith.muli %arg1, %mul3A_41 : i32
      %mul3A_43 = arith.constant 128 : i32
      %mul3A_44 = arith.muli %scan3A_40, %mul3A_43 : i32
      %add3A_45 = arith.addi %mul3A_42, %mul3A_44 : i32
      "tpu.region"() ({
        %run_scoped3A = tpu.sem_alloc : memref<!tpu.dma_semaphore, #tpu.memory_space<semaphore_mem>>
        %dma_start3A = arith.constant 0 : i32
        %dma_start3A_46 = tpu.memref_slice %arg13[%add3A_45, %dma_start3A] : memref<10240x128xf32, #tpu.memory_space<vmem_shared>> -> memref<128x128xf32, #tpu.memory_space<vmem_shared>>
        %dma_start3A_47 = arith.constant 0 : i32
        %dma_start3A_48 = tpu.memref_slice %arg13[%add3A_45, %dma_start3A_47] : memref<10240x128xf32, #tpu.memory_space<vmem_shared>> -> memref<128x128xf32, #tpu.memory_space<vmem_shared>>
        tpu.enqueue_dma source(%arg11 : memref<128x128xf32, #tpu.memory_space<vmem>>) target(%dma_start3A_48 : memref<128x128xf32, #tpu.memory_space<vmem_shared>>) target_semaphore(%run_scoped3A : memref<!tpu.dma_semaphore, #tpu.memory_space<semaphore_mem>>)
        %dma_wait3A = arith.constant 0 : i32
        %dma_wait3A_49 = tpu.memref_slice %arg13[%add3A_45, %dma_wait3A] : memref<10240x128xf32, #tpu.memory_space<vmem_shared>> -> memref<128x128xf32, #tpu.memory_space<vmem_shared>>
        %dma_wait3A_50 = arith.constant 0 : i32
        %dma_wait3A_51 = tpu.memref_slice %arg13[%add3A_45, %dma_wait3A_50] : memref<10240x128xf32, #tpu.memory_space<vmem_shared>> -> memref<128x128xf32, #tpu.memory_space<vmem_shared>>
        tpu.wait_dma2 semaphore(%run_scoped3A : memref<!tpu.dma_semaphore, #tpu.memory_space<semaphore_mem>>) src(%arg11 : memref<128x128xf32, #tpu.memory_space<vmem>>) dst(%dma_wait3A_51 : memref<128x128xf32, #tpu.memory_space<vmem_shared>>)
        tpu.yield
      }) : () -> ()
    }
    %scan3A_5 = arith.constant 5 : i32
    "tpu.region"() ({
      %run_scoped3A = tpu.sem_alloc : memref<!tpu.dma_semaphore, #tpu.memory_space<semaphore_mem>>
      tpu.enqueue_dma source(%arg6 : memref<128x128xf32, #tpu.memory_space<hbm>>) target(%arg12 : memref<128x128xf32, #tpu.memory_space<vmem>>) target_semaphore(%run_scoped3A : memref<!tpu.dma_semaphore, #tpu.memory_space<semaphore_mem>>)
      tpu.wait_dma2 semaphore(%run_scoped3A : memref<!tpu.dma_semaphore, #tpu.memory_space<semaphore_mem>>) src(%arg6 : memref<128x128xf32, #tpu.memory_space<hbm>>) dst(%arg12 : memref<128x128xf32, #tpu.memory_space<vmem>>)
      tpu.yield
    }) : () -> ()
    %barrier3A = arith.constant 0 : index
    tpu.barrier barrier_id(%barrier3A)
    %scan3A_6 = arith.constant 0 : i32
    %scan3A_7 = arith.constant 0 : i32
    %scan3A_8 = arith.constant 79 : i32
    %scan3A_9 = arith.addi %scan3A_7, %scan3A_8 : i32
    %scan3A_10 = arith.constant 1 : i32
    scf.for %scan3A_40 = %scan3A_7 to %scan3A_9 step %scan3A_10  : i32 {
      %mul3A_41 = arith.constant 10112 : i32
      %mul3A_42 = arith.muli %add3A, %mul3A_41 : i32
      %mul3A_43 = arith.constant 128 : i32
      %mul3A_44 = arith.muli %scan3A_40, %mul3A_43 : i32
      %add3A_45 = arith.addi %mul3A_42, %mul3A_44 : i32
      "tpu.region"() ({
        %run_scoped3A = tpu.sem_alloc : memref<!tpu.dma_semaphore, #tpu.memory_space<semaphore_mem>>
        %dma_start3A_50 = tpu.memref_slice %arg3[%add3A_45] : memref<323584xi32, #tpu.memory_space<hbm>> -> memref<128xi32, #tpu.memory_space<hbm>>
        %dma_start3A_51 = tpu.memref_slice %arg3[%add3A_45] : memref<323584xi32, #tpu.memory_space<hbm>> -> memref<128xi32, #tpu.memory_space<hbm>>
        tpu.enqueue_dma source(%dma_start3A_51 : memref<128xi32, #tpu.memory_space<hbm>>) target(%arg9 : memref<128xi32, #tpu.memory_space<vmem>>) target_semaphore(%run_scoped3A : memref<!tpu.dma_semaphore, #tpu.memory_space<semaphore_mem>>)
        %dma_wait3A_52 = tpu.memref_slice %arg3[%add3A_45] : memref<323584xi32, #tpu.memory_space<hbm>> -> memref<128xi32, #tpu.memory_space<hbm>>
        %dma_wait3A_53 = tpu.memref_slice %arg3[%add3A_45] : memref<323584xi32, #tpu.memory_space<hbm>> -> memref<128xi32, #tpu.memory_space<hbm>>
        tpu.wait_dma2 semaphore(%run_scoped3A : memref<!tpu.dma_semaphore, #tpu.memory_space<semaphore_mem>>) src(%dma_wait3A_53 : memref<128xi32, #tpu.memory_space<hbm>>) dst(%arg9 : memref<128xi32, #tpu.memory_space<vmem>>)
        tpu.yield
      }) : () -> ()
      "tpu.region"() ({
        %run_scoped3A = tpu.sem_alloc : memref<!tpu.dma_semaphore, #tpu.memory_space<semaphore_mem>>
        %dma_start3A_50 = tpu.memref_slice %arg4[%add3A_45] : memref<323584xi32, #tpu.memory_space<hbm>> -> memref<128xi32, #tpu.memory_space<hbm>>
        %dma_start3A_51 = tpu.memref_slice %arg4[%add3A_45] : memref<323584xi32, #tpu.memory_space<hbm>> -> memref<128xi32, #tpu.memory_space<hbm>>
        tpu.enqueue_dma source(%dma_start3A_51 : memref<128xi32, #tpu.memory_space<hbm>>) target(%arg10 : memref<128xi32, #tpu.memory_space<vmem>>) target_semaphore(%run_scoped3A : memref<!tpu.dma_semaphore, #tpu.memory_space<semaphore_mem>>)
        %dma_wait3A_52 = tpu.memref_slice %arg4[%add3A_45] : memref<323584xi32, #tpu.memory_space<hbm>> -> memref<128xi32, #tpu.memory_space<hbm>>
        %dma_wait3A_53 = tpu.memref_slice %arg4[%add3A_45] : memref<323584xi32, #tpu.memory_space<hbm>> -> memref<128xi32, #tpu.memory_space<hbm>>
        tpu.wait_dma2 semaphore(%run_scoped3A : memref<!tpu.dma_semaphore, #tpu.memory_space<semaphore_mem>>) src(%dma_wait3A_53 : memref<128xi32, #tpu.memory_space<hbm>>) dst(%arg10 : memref<128xi32, #tpu.memory_space<vmem>>)
        tpu.yield
      }) : () -> ()
      %dma_start3A = arith.constant 0 : i32
      %dma_start3A_46 = arith.constant 0 : i32
      %dma_start3A_47 = tpu.memref_slice %arg2[%dma_start3A, %dma_start3A_46] : memref<10000x128xf32, #tpu.memory_space<hbm>> -> memref<10000x128xf32, #tpu.memory_space<hbm>>
      tpu.enqueue_indirect_dma source(%dma_start3A_47 : memref<10000x128xf32, #tpu.memory_space<hbm>>) target(%arg11 : memref<128x128xf32, #tpu.memory_space<vmem>>) offsets(%arg9 : memref<128xi32, #tpu.memory_space<vmem>>) semaphore(%arg14 : memref<!tpu.dma_semaphore, #tpu.memory_space<semaphore_mem>>)
      %dma_wait3A = arith.constant 0 : i32
      %dma_wait3A_48 = arith.constant 0 : i32
      %dma_wait3A_49 = tpu.memref_slice %arg2[%dma_wait3A, %dma_wait3A_48] : memref<10000x128xf32, #tpu.memory_space<hbm>> -> memref<10000x128xf32, #tpu.memory_space<hbm>>
      tpu.wait_indirect_dma semaphore(%arg14 : memref<!tpu.dma_semaphore, #tpu.memory_space<semaphore_mem>>) src(%dma_wait3A_49 : memref<10000x128xf32, #tpu.memory_space<hbm>>) dst(%arg11 : memref<128x128xf32, #tpu.memory_space<vmem>>)
      "tpu.region"() ({
        %run_scoped3A = tpu.sem_alloc : memref<!tpu.dma_semaphore, #tpu.memory_space<semaphore_mem>>
        %dma_start3A_50 = arith.constant 0 : i32
        %dma_start3A_51 = arith.constant 0 : i32
        %dma_start3A_52 = tpu.memref_slice %arg13[%dma_start3A_50, %dma_start3A_51] : memref<10240x128xf32, #tpu.memory_space<vmem_shared>> -> memref<10240x128xf32, #tpu.memory_space<vmem_shared>>
        tpu.enqueue_indirect_dma source(%arg11 : memref<128x128xf32, #tpu.memory_space<vmem>>) target(%dma_start3A_52 : memref<10240x128xf32, #tpu.memory_space<vmem_shared>>) offsets(%arg10 : memref<128xi32, #tpu.memory_space<vmem>>) semaphore(%run_scoped3A : memref<!tpu.dma_semaphore, #tpu.memory_space<semaphore_mem>>) {add = true}
        %dma_wait3A_53 = arith.constant 0 : i32
        %dma_wait3A_54 = arith.constant 0 : i32
        %dma_wait3A_55 = tpu.memref_slice %arg13[%dma_wait3A_53, %dma_wait3A_54] : memref<10240x128xf32, #tpu.memory_space<vmem_shared>> -> memref<10240x128xf32, #tpu.memory_space<vmem_shared>>
        tpu.wait_indirect_dma semaphore(%run_scoped3A : memref<!tpu.dma_semaphore, #tpu.memory_space<semaphore_mem>>) src(%arg11 : memref<128x128xf32, #tpu.memory_space<vmem>>) dst(%dma_wait3A_55 : memref<10240x128xf32, #tpu.memory_space<vmem_shared>>)
        tpu.yield
      }) : () -> ()
    }
    %scan3A_11 = arith.constant 79 : i32
    %barrier3A_12 = arith.constant 0 : index
    tpu.barrier barrier_id(%barrier3A_12)
    %scan3A_13 = arith.constant 0 : i32
    %scan3A_14 = arith.constant 0 : i32
    %scan3A_15 = arith.constant 5 : i32
    %scan3A_16 = arith.addi %scan3A_14, %scan3A_15 : i32
    %scan3A_17 = arith.constant 1 : i32
    scf.for %scan3A_40 = %scan3A_14 to %scan3A_16 step %scan3A_17  : i32 {
      %mul3A_41 = arith.constant 640 : i32
      %mul3A_42 = arith.muli %arg1, %mul3A_41 : i32
      %mul3A_43 = arith.constant 128 : i32
      %mul3A_44 = arith.muli %scan3A_40, %mul3A_43 : i32
      %add3A_45 = arith.addi %mul3A_42, %mul3A_44 : i32
      "tpu.region"() ({
        %run_scoped3A = tpu.sem_alloc : memref<!tpu.dma_semaphore, #tpu.memory_space<semaphore_mem>>
        %dma_start3A = arith.constant 0 : i32
        %dma_start3A_46 = tpu.memref_slice %arg13[%add3A_45, %dma_start3A] : memref<10240x128xf32, #tpu.memory_space<vmem_shared>> -> memref<128x128xf32, #tpu.memory_space<vmem_shared>>
        %dma_start3A_47 = arith.constant 0 : i32
        %dma_start3A_48 = tpu.memref_slice %arg13[%add3A_45, %dma_start3A_47] : memref<10240x128xf32, #tpu.memory_space<vmem_shared>> -> memref<128x128xf32, #tpu.memory_space<vmem_shared>>
        tpu.enqueue_dma source(%dma_start3A_48 : memref<128x128xf32, #tpu.memory_space<vmem_shared>>) target(%arg11 : memref<128x128xf32, #tpu.memory_space<vmem>>) target_semaphore(%run_scoped3A : memref<!tpu.dma_semaphore, #tpu.memory_space<semaphore_mem>>)
        %dma_wait3A = arith.constant 0 : i32
        %dma_wait3A_49 = tpu.memref_slice %arg13[%add3A_45, %dma_wait3A] : memref<10240x128xf32, #tpu.memory_space<vmem_shared>> -> memref<128x128xf32, #tpu.memory_space<vmem_shared>>
        %dma_wait3A_50 = arith.constant 0 : i32
        %dma_wait3A_51 = tpu.memref_slice %arg13[%add3A_45, %dma_wait3A_50] : memref<10240x128xf32, #tpu.memory_space<vmem_shared>> -> memref<128x128xf32, #tpu.memory_space<vmem_shared>>
        tpu.wait_dma2 semaphore(%run_scoped3A : memref<!tpu.dma_semaphore, #tpu.memory_space<semaphore_mem>>) src(%dma_wait3A_51 : memref<128x128xf32, #tpu.memory_space<vmem_shared>>) dst(%arg11 : memref<128x128xf32, #tpu.memory_space<vmem>>)
        tpu.yield
      }) : () -> ()
      "tpu.region"() ({
        %run_scoped3A = tpu.sem_alloc : memref<!tpu.dma_semaphore, #tpu.memory_space<semaphore_mem>>
        %dma_start3A = arith.constant 0 : i32
        %dma_start3A_46 = tpu.memref_slice %arg7[%arg0, %add3A_45, %dma_start3A] : memref<2x10240x128xf32, #tpu.memory_space<hbm>> -> memref<1x128x128xf32, #tpu.memory_space<hbm>>
        %dma_start3A_47 = tpu.memref_squeeze %dma_start3A_46 : memref<1x128x128xf32, #tpu.memory_space<hbm>> -> memref<128x128xf32, #tpu.memory_space<hbm>>
        %dma_start3A_48 = arith.constant 0 : i32
        %dma_start3A_49 = tpu.memref_slice %arg7[%arg0, %add3A_45, %dma_start3A_48] : memref<2x10240x128xf32, #tpu.memory_space<hbm>> -> memref<1x128x128xf32, #tpu.memory_space<hbm>>
        %dma_start3A_50 = tpu.memref_squeeze %dma_start3A_49 : memref<1x128x128xf32, #tpu.memory_space<hbm>> -> memref<128x128xf32, #tpu.memory_space<hbm>>
        tpu.enqueue_dma source(%arg11 : memref<128x128xf32, #tpu.memory_space<vmem>>) target(%dma_start3A_50 : memref<128x128xf32, #tpu.memory_space<hbm>>) target_semaphore(%run_scoped3A : memref<!tpu.dma_semaphore, #tpu.memory_space<semaphore_mem>>)
        %dma_wait3A = arith.constant 0 : i32
        %dma_wait3A_51 = tpu.memref_slice %arg7[%arg0, %add3A_45, %dma_wait3A] : memref<2x10240x128xf32, #tpu.memory_space<hbm>> -> memref<1x128x128xf32, #tpu.memory_space<hbm>>
        %dma_wait3A_52 = tpu.memref_squeeze %dma_wait3A_51 : memref<1x128x128xf32, #tpu.memory_space<hbm>> -> memref<128x128xf32, #tpu.memory_space<hbm>>
        %dma_wait3A_53 = arith.constant 0 : i32
        %dma_wait3A_54 = tpu.memref_slice %arg7[%arg0, %add3A_45, %dma_wait3A_53] : memref<2x10240x128xf32, #tpu.memory_space<hbm>> -> memref<1x128x128xf32, #tpu.memory_space<hbm>>
        %dma_wait3A_55 = tpu.memref_squeeze %dma_wait3A_54 : memref<1x128x128xf32, #tpu.memory_space<hbm>> -> memref<128x128xf32, #tpu.memory_space<hbm>>
        tpu.wait_dma2 semaphore(%run_scoped3A : memref<!tpu.dma_semaphore, #tpu.memory_space<semaphore_mem>>) src(%arg11 : memref<128x128xf32, #tpu.memory_space<vmem>>) dst(%dma_wait3A_55 : memref<128x128xf32, #tpu.memory_space<hbm>>)
        tpu.yield
      }) : () -> ()
    }
    %scan3A_18 = arith.constant 5 : i32
    %barrier3A_19 = arith.constant 0 : index
    tpu.barrier barrier_id(%barrier3A_19)
    "tpu.region"() ({
      %run_scoped3A = tpu.sem_alloc : memref<!tpu.dma_semaphore, #tpu.memory_space<semaphore_mem>>
      tpu.enqueue_dma source(%arg5 : memref<128x128xf32, #tpu.memory_space<hbm>>) target(%arg11 : memref<128x128xf32, #tpu.memory_space<vmem>>) target_semaphore(%run_scoped3A : memref<!tpu.dma_semaphore, #tpu.memory_space<semaphore_mem>>)
      tpu.wait_dma2 semaphore(%run_scoped3A : memref<!tpu.dma_semaphore, #tpu.memory_space<semaphore_mem>>) src(%arg5 : memref<128x128xf32, #tpu.memory_space<hbm>>) dst(%arg11 : memref<128x128xf32, #tpu.memory_space<vmem>>)
      tpu.yield
    }) : () -> ()
    %scan3A_20 = arith.constant 0 : i32
    %scan3A_21 = arith.constant 0 : i32
    %scan3A_22 = arith.constant 5 : i32
    %scan3A_23 = arith.addi %scan3A_21, %scan3A_22 : i32
    %scan3A_24 = arith.constant 1 : i32
    scf.for %scan3A_40 = %scan3A_21 to %scan3A_23 step %scan3A_24  : i32 {
      %mul3A_41 = arith.constant 640 : i32
      %mul3A_42 = arith.muli %arg1, %mul3A_41 : i32
      %mul3A_43 = arith.constant 128 : i32
      %mul3A_44 = arith.muli %scan3A_40, %mul3A_43 : i32
      %add3A_45 = arith.addi %mul3A_42, %mul3A_44 : i32
      "tpu.region"() ({
        %run_scoped3A = tpu.sem_alloc : memref<!tpu.dma_semaphore, #tpu.memory_space<semaphore_mem>>
        %dma_start3A = arith.constant 0 : i32
        %dma_start3A_46 = tpu.memref_slice %arg13[%add3A_45, %dma_start3A] : memref<10240x128xf32, #tpu.memory_space<vmem_shared>> -> memref<128x128xf32, #tpu.memory_space<vmem_shared>>
        %dma_start3A_47 = arith.constant 0 : i32
        %dma_start3A_48 = tpu.memref_slice %arg13[%add3A_45, %dma_start3A_47] : memref<10240x128xf32, #tpu.memory_space<vmem_shared>> -> memref<128x128xf32, #tpu.memory_space<vmem_shared>>
        tpu.enqueue_dma source(%arg11 : memref<128x128xf32, #tpu.memory_space<vmem>>) target(%dma_start3A_48 : memref<128x128xf32, #tpu.memory_space<vmem_shared>>) target_semaphore(%run_scoped3A : memref<!tpu.dma_semaphore, #tpu.memory_space<semaphore_mem>>)
        %dma_wait3A = arith.constant 0 : i32
        %dma_wait3A_49 = tpu.memref_slice %arg13[%add3A_45, %dma_wait3A] : memref<10240x128xf32, #tpu.memory_space<vmem_shared>> -> memref<128x128xf32, #tpu.memory_space<vmem_shared>>
        %dma_wait3A_50 = arith.constant 0 : i32
        %dma_wait3A_51 = tpu.memref_slice %arg13[%add3A_45, %dma_wait3A_50] : memref<10240x128xf32, #tpu.memory_space<vmem_shared>> -> memref<128x128xf32, #tpu.memory_space<vmem_shared>>
        tpu.wait_dma2 semaphore(%run_scoped3A : memref<!tpu.dma_semaphore, #tpu.memory_space<semaphore_mem>>) src(%arg11 : memref<128x128xf32, #tpu.memory_space<vmem>>) dst(%dma_wait3A_51 : memref<128x128xf32, #tpu.memory_space<vmem_shared>>)
        tpu.yield
      }) : () -> ()
    }
    %scan3A_25 = arith.constant 5 : i32
    %barrier3A_26 = arith.constant 0 : index
    tpu.barrier barrier_id(%barrier3A_26)
    %scan3A_27 = arith.constant 0 : i32
    %scan3A_28 = arith.constant 0 : i32
    %scan3A_29 = arith.constant 79 : i32
    %scan3A_30 = arith.addi %scan3A_28, %scan3A_29 : i32
    %scan3A_31 = arith.constant 1 : i32
    scf.for %scan3A_40 = %scan3A_28 to %scan3A_30 step %scan3A_31  : i32 {
      %mul3A_41 = arith.constant 10112 : i32
      %mul3A_42 = arith.muli %add3A, %mul3A_41 : i32
      %mul3A_43 = arith.constant 128 : i32
      %mul3A_44 = arith.muli %scan3A_40, %mul3A_43 : i32
      %add3A_45 = arith.addi %mul3A_42, %mul3A_44 : i32
      "tpu.region"() ({
        %run_scoped3A = tpu.sem_alloc : memref<!tpu.dma_semaphore, #tpu.memory_space<semaphore_mem>>
        %dma_start3A = tpu.memref_slice %arg4[%add3A_45] : memref<323584xi32, #tpu.memory_space<hbm>> -> memref<128xi32, #tpu.memory_space<hbm>>
        %dma_start3A_46 = tpu.memref_slice %arg4[%add3A_45] : memref<323584xi32, #tpu.memory_space<hbm>> -> memref<128xi32, #tpu.memory_space<hbm>>
        tpu.enqueue_dma source(%dma_start3A_46 : memref<128xi32, #tpu.memory_space<hbm>>) target(%arg10 : memref<128xi32, #tpu.memory_space<vmem>>) target_semaphore(%run_scoped3A : memref<!tpu.dma_semaphore, #tpu.memory_space<semaphore_mem>>)
        %dma_wait3A = tpu.memref_slice %arg4[%add3A_45] : memref<323584xi32, #tpu.memory_space<hbm>> -> memref<128xi32, #tpu.memory_space<hbm>>
        %dma_wait3A_47 = tpu.memref_slice %arg4[%add3A_45] : memref<323584xi32, #tpu.memory_space<hbm>> -> memref<128xi32, #tpu.memory_space<hbm>>
        tpu.wait_dma2 semaphore(%run_scoped3A : memref<!tpu.dma_semaphore, #tpu.memory_space<semaphore_mem>>) src(%dma_wait3A_47 : memref<128xi32, #tpu.memory_space<hbm>>) dst(%arg10 : memref<128xi32, #tpu.memory_space<vmem>>)
        tpu.yield
      }) : () -> ()
      "tpu.region"() ({
        %run_scoped3A = tpu.sem_alloc : memref<!tpu.dma_semaphore, #tpu.memory_space<semaphore_mem>>
        %dma_start3A = arith.constant 0 : i32
        %dma_start3A_46 = arith.constant 0 : i32
        %dma_start3A_47 = tpu.memref_slice %arg13[%dma_start3A, %dma_start3A_46] : memref<10240x128xf32, #tpu.memory_space<vmem_shared>> -> memref<10240x128xf32, #tpu.memory_space<vmem_shared>>
        tpu.enqueue_indirect_dma source(%arg12 : memref<128x128xf32, #tpu.memory_space<vmem>>) target(%dma_start3A_47 : memref<10240x128xf32, #tpu.memory_space<vmem_shared>>) offsets(%arg10 : memref<128xi32, #tpu.memory_space<vmem>>) semaphore(%run_scoped3A : memref<!tpu.dma_semaphore, #tpu.memory_space<semaphore_mem>>) {add = true}
        %dma_wait3A = arith.constant 0 : i32
        %dma_wait3A_48 = arith.constant 0 : i32
        %dma_wait3A_49 = tpu.memref_slice %arg13[%dma_wait3A, %dma_wait3A_48] : memref<10240x128xf32, #tpu.memory_space<vmem_shared>> -> memref<10240x128xf32, #tpu.memory_space<vmem_shared>>
        tpu.wait_indirect_dma semaphore(%run_scoped3A : memref<!tpu.dma_semaphore, #tpu.memory_space<semaphore_mem>>) src(%arg12 : memref<128x128xf32, #tpu.memory_space<vmem>>) dst(%dma_wait3A_49 : memref<10240x128xf32, #tpu.memory_space<vmem_shared>>)
        tpu.yield
      }) : () -> ()
    }
    %scan3A_32 = arith.constant 79 : i32
    %barrier3A_33 = arith.constant 0 : index
    tpu.barrier barrier_id(%barrier3A_33)
    %scan3A_34 = arith.constant 0 : i32
    %scan3A_35 = arith.constant 0 : i32
    %scan3A_36 = arith.constant 5 : i32
    %scan3A_37 = arith.addi %scan3A_35, %scan3A_36 : i32
    %scan3A_38 = arith.constant 1 : i32
    scf.for %scan3A_40 = %scan3A_35 to %scan3A_37 step %scan3A_38  : i32 {
      %mul3A_41 = arith.constant 640 : i32
      %mul3A_42 = arith.muli %arg1, %mul3A_41 : i32
      %mul3A_43 = arith.constant 128 : i32
      %mul3A_44 = arith.muli %scan3A_40, %mul3A_43 : i32
      %add3A_45 = arith.addi %mul3A_42, %mul3A_44 : i32
      "tpu.region"() ({
        %run_scoped3A = tpu.sem_alloc : memref<!tpu.dma_semaphore, #tpu.memory_space<semaphore_mem>>
        %dma_start3A = arith.constant 0 : i32
        %dma_start3A_46 = tpu.memref_slice %arg13[%add3A_45, %dma_start3A] : memref<10240x128xf32, #tpu.memory_space<vmem_shared>> -> memref<128x128xf32, #tpu.memory_space<vmem_shared>>
        %dma_start3A_47 = arith.constant 0 : i32
        %dma_start3A_48 = tpu.memref_slice %arg13[%add3A_45, %dma_start3A_47] : memref<10240x128xf32, #tpu.memory_space<vmem_shared>> -> memref<128x128xf32, #tpu.memory_space<vmem_shared>>
        tpu.enqueue_dma source(%dma_start3A_48 : memref<128x128xf32, #tpu.memory_space<vmem_shared>>) target(%arg11 : memref<128x128xf32, #tpu.memory_space<vmem>>) target_semaphore(%run_scoped3A : memref<!tpu.dma_semaphore, #tpu.memory_space<semaphore_mem>>)
        %dma_wait3A = arith.constant 0 : i32
        %dma_wait3A_49 = tpu.memref_slice %arg13[%add3A_45, %dma_wait3A] : memref<10240x128xf32, #tpu.memory_space<vmem_shared>> -> memref<128x128xf32, #tpu.memory_space<vmem_shared>>
        %dma_wait3A_50 = arith.constant 0 : i32
        %dma_wait3A_51 = tpu.memref_slice %arg13[%add3A_45, %dma_wait3A_50] : memref<10240x128xf32, #tpu.memory_space<vmem_shared>> -> memref<128x128xf32, #tpu.memory_space<vmem_shared>>
        tpu.wait_dma2 semaphore(%run_scoped3A : memref<!tpu.dma_semaphore, #tpu.memory_space<semaphore_mem>>) src(%dma_wait3A_51 : memref<128x128xf32, #tpu.memory_space<vmem_shared>>) dst(%arg11 : memref<128x128xf32, #tpu.memory_space<vmem>>)
        tpu.yield
      }) : () -> ()
      "tpu.region"() ({
        %run_scoped3A = tpu.sem_alloc : memref<!tpu.dma_semaphore, #tpu.memory_space<semaphore_mem>>
        %dma_start3A = arith.constant 0 : i32
        %dma_start3A_46 = tpu.memref_slice %arg8[%arg0, %add3A_45, %dma_start3A] : memref<2x10240x128xf32, #tpu.memory_space<hbm>> -> memref<1x128x128xf32, #tpu.memory_space<hbm>>
        %dma_start3A_47 = tpu.memref_squeeze %dma_start3A_46 : memref<1x128x128xf32, #tpu.memory_space<hbm>> -> memref<128x128xf32, #tpu.memory_space<hbm>>
        %dma_start3A_48 = arith.constant 0 : i32
        %dma_start3A_49 = tpu.memref_slice %arg8[%arg0, %add3A_45, %dma_start3A_48] : memref<2x10240x128xf32, #tpu.memory_space<hbm>> -> memref<1x128x128xf32, #tpu.memory_space<hbm>>
        %dma_start3A_50 = tpu.memref_squeeze %dma_start3A_49 : memref<1x128x128xf32, #tpu.memory_space<hbm>> -> memref<128x128xf32, #tpu.memory_space<hbm>>
        tpu.enqueue_dma source(%arg11 : memref<128x128xf32, #tpu.memory_space<vmem>>) target(%dma_start3A_50 : memref<128x128xf32, #tpu.memory_space<hbm>>) target_semaphore(%run_scoped3A : memref<!tpu.dma_semaphore, #tpu.memory_space<semaphore_mem>>)
        %dma_wait3A = arith.constant 0 : i32
        %dma_wait3A_51 = tpu.memref_slice %arg8[%arg0, %add3A_45, %dma_wait3A] : memref<2x10240x128xf32, #tpu.memory_space<hbm>> -> memref<1x128x128xf32, #tpu.memory_space<hbm>>
        %dma_wait3A_52 = tpu.memref_squeeze %dma_wait3A_51 : memref<1x128x128xf32, #tpu.memory_space<hbm>> -> memref<128x128xf32, #tpu.memory_space<hbm>>
        %dma_wait3A_53 = arith.constant 0 : i32
        %dma_wait3A_54 = tpu.memref_slice %arg8[%arg0, %add3A_45, %dma_wait3A_53] : memref<2x10240x128xf32, #tpu.memory_space<hbm>> -> memref<1x128x128xf32, #tpu.memory_space<hbm>>
        %dma_wait3A_55 = tpu.memref_squeeze %dma_wait3A_54 : memref<1x128x128xf32, #tpu.memory_space<hbm>> -> memref<128x128xf32, #tpu.memory_space<hbm>>
        tpu.wait_dma2 semaphore(%run_scoped3A : memref<!tpu.dma_semaphore, #tpu.memory_space<semaphore_mem>>) src(%arg11 : memref<128x128xf32, #tpu.memory_space<vmem>>) dst(%dma_wait3A_55 : memref<128x128xf32, #tpu.memory_space<hbm>>)
        tpu.yield
      }) : () -> ()
    }
    %scan3A_39 = arith.constant 5 : i32
    return
  }
}

#map = affine_map<(d0, d1) -> (0, 0)>
#map1 = affine_map<(d0, d1) -> (0)>
#map2 = affine_map<(d0, d1) -> (0, 0, 0)>
module attributes {stable_mosaic.version = 14 : i64} {
  func.func @_sc_body(%arg0: i32, %arg1: i32, %arg2: memref<10000x128xf32, #tpu.memory_space<hbm>>, %arg3: memref<323584xi32, #tpu.memory_space<hbm>>, %arg4: memref<323584xi32, #tpu.memory_space<hbm>>, %arg5: memref<128x128xf32, #tpu.memory_space<hbm>>, %arg6: memref<2x10240x128xf32, #tpu.memory_space<hbm>>, %arg7: memref<128xi32, #tpu.memory_space<vmem>>, %arg8: memref<128xi32, #tpu.memory_space<vmem>>, %arg9: memref<128x128xf32, #tpu.memory_space<vmem>>, %arg10: memref<10240x128xf32, #tpu.memory_space<vmem_shared>>, %arg11: memref<!tpu.dma_semaphore, #tpu.memory_space<semaphore_mem>>) attributes {dimension_semantics = [#tpu.dimension_semantics<core_parallel>, #tpu.dimension_semantics<subcore_parallel>], iteration_bounds = array<i64: 2, 16>, scalar_prefetch = 0 : i64, scratch_operands = 5 : i64, tpu.core_type = #tpu.core_type<sc_vector_subcore>, window_params = [{transform_indices = #map}, {transform_indices = #map1}, {transform_indices = #map1}, {transform_indices = #map}, {transform_indices = #map2}]} {
    %mul3A = arith.constant 16 : i32
    %mul3A_0 = arith.muli %arg0, %mul3A : i32
    %add3A = arith.addi %mul3A_0, %arg1 : i32
    "tpu.region"() ({
      %run_scoped3A = tpu.sem_alloc : memref<!tpu.dma_semaphore, #tpu.memory_space<semaphore_mem>>
      tpu.enqueue_dma source(%arg5 : memref<128x128xf32, #tpu.memory_space<hbm>>) target(%arg9 : memref<128x128xf32, #tpu.memory_space<vmem>>) target_semaphore(%run_scoped3A : memref<!tpu.dma_semaphore, #tpu.memory_space<semaphore_mem>>)
      tpu.wait_dma2 semaphore(%run_scoped3A : memref<!tpu.dma_semaphore, #tpu.memory_space<semaphore_mem>>) src(%arg5 : memref<128x128xf32, #tpu.memory_space<hbm>>) dst(%arg9 : memref<128x128xf32, #tpu.memory_space<vmem>>)
      tpu.yield
    }) : () -> ()
    %scan3A = arith.constant 0 : i32
    %scan3A_1 = arith.constant 0 : i32
    %scan3A_2 = arith.constant 5 : i32
    %scan3A_3 = arith.addi %scan3A_1, %scan3A_2 : i32
    %scan3A_4 = arith.constant 1 : i32
    scf.for %scan3A_19 = %scan3A_1 to %scan3A_3 step %scan3A_4  : i32 {
      %mul3A_20 = arith.constant 640 : i32
      %mul3A_21 = arith.muli %arg1, %mul3A_20 : i32
      %mul3A_22 = arith.constant 128 : i32
      %mul3A_23 = arith.muli %scan3A_19, %mul3A_22 : i32
      %add3A_24 = arith.addi %mul3A_21, %mul3A_23 : i32
      "tpu.region"() ({
        %run_scoped3A = tpu.sem_alloc : memref<!tpu.dma_semaphore, #tpu.memory_space<semaphore_mem>>
        %dma_start3A = arith.constant 0 : i32
        %dma_start3A_25 = tpu.memref_slice %arg10[%add3A_24, %dma_start3A] : memref<10240x128xf32, #tpu.memory_space<vmem_shared>> -> memref<128x128xf32, #tpu.memory_space<vmem_shared>>
        %dma_start3A_26 = arith.constant 0 : i32
        %dma_start3A_27 = tpu.memref_slice %arg10[%add3A_24, %dma_start3A_26] : memref<10240x128xf32, #tpu.memory_space<vmem_shared>> -> memref<128x128xf32, #tpu.memory_space<vmem_shared>>
        tpu.enqueue_dma source(%arg9 : memref<128x128xf32, #tpu.memory_space<vmem>>) target(%dma_start3A_27 : memref<128x128xf32, #tpu.memory_space<vmem_shared>>) target_semaphore(%run_scoped3A : memref<!tpu.dma_semaphore, #tpu.memory_space<semaphore_mem>>)
        %dma_wait3A = arith.constant 0 : i32
        %dma_wait3A_28 = tpu.memref_slice %arg10[%add3A_24, %dma_wait3A] : memref<10240x128xf32, #tpu.memory_space<vmem_shared>> -> memref<128x128xf32, #tpu.memory_space<vmem_shared>>
        %dma_wait3A_29 = arith.constant 0 : i32
        %dma_wait3A_30 = tpu.memref_slice %arg10[%add3A_24, %dma_wait3A_29] : memref<10240x128xf32, #tpu.memory_space<vmem_shared>> -> memref<128x128xf32, #tpu.memory_space<vmem_shared>>
        tpu.wait_dma2 semaphore(%run_scoped3A : memref<!tpu.dma_semaphore, #tpu.memory_space<semaphore_mem>>) src(%arg9 : memref<128x128xf32, #tpu.memory_space<vmem>>) dst(%dma_wait3A_30 : memref<128x128xf32, #tpu.memory_space<vmem_shared>>)
        tpu.yield
      }) : () -> ()
    }
    %scan3A_5 = arith.constant 5 : i32
    %barrier3A = arith.constant 0 : index
    tpu.barrier barrier_id(%barrier3A)
    %scan3A_6 = arith.constant 0 : i32
    %scan3A_7 = arith.constant 0 : i32
    %scan3A_8 = arith.constant 79 : i32
    %scan3A_9 = arith.addi %scan3A_7, %scan3A_8 : i32
    %scan3A_10 = arith.constant 1 : i32
    scf.for %scan3A_19 = %scan3A_7 to %scan3A_9 step %scan3A_10  : i32 {
      %mul3A_20 = arith.constant 10112 : i32
      %mul3A_21 = arith.muli %add3A, %mul3A_20 : i32
      %mul3A_22 = arith.constant 128 : i32
      %mul3A_23 = arith.muli %scan3A_19, %mul3A_22 : i32
      %add3A_24 = arith.addi %mul3A_21, %mul3A_23 : i32
      "tpu.region"() ({
        %run_scoped3A = tpu.sem_alloc : memref<!tpu.dma_semaphore, #tpu.memory_space<semaphore_mem>>
        %dma_start3A_29 = tpu.memref_slice %arg3[%add3A_24] : memref<323584xi32, #tpu.memory_space<hbm>> -> memref<128xi32, #tpu.memory_space<hbm>>
        %dma_start3A_30 = tpu.memref_slice %arg3[%add3A_24] : memref<323584xi32, #tpu.memory_space<hbm>> -> memref<128xi32, #tpu.memory_space<hbm>>
        tpu.enqueue_dma source(%dma_start3A_30 : memref<128xi32, #tpu.memory_space<hbm>>) target(%arg7 : memref<128xi32, #tpu.memory_space<vmem>>) target_semaphore(%run_scoped3A : memref<!tpu.dma_semaphore, #tpu.memory_space<semaphore_mem>>)
        %dma_wait3A_31 = tpu.memref_slice %arg3[%add3A_24] : memref<323584xi32, #tpu.memory_space<hbm>> -> memref<128xi32, #tpu.memory_space<hbm>>
        %dma_wait3A_32 = tpu.memref_slice %arg3[%add3A_24] : memref<323584xi32, #tpu.memory_space<hbm>> -> memref<128xi32, #tpu.memory_space<hbm>>
        tpu.wait_dma2 semaphore(%run_scoped3A : memref<!tpu.dma_semaphore, #tpu.memory_space<semaphore_mem>>) src(%dma_wait3A_32 : memref<128xi32, #tpu.memory_space<hbm>>) dst(%arg7 : memref<128xi32, #tpu.memory_space<vmem>>)
        tpu.yield
      }) : () -> ()
      "tpu.region"() ({
        %run_scoped3A = tpu.sem_alloc : memref<!tpu.dma_semaphore, #tpu.memory_space<semaphore_mem>>
        %dma_start3A_29 = tpu.memref_slice %arg4[%add3A_24] : memref<323584xi32, #tpu.memory_space<hbm>> -> memref<128xi32, #tpu.memory_space<hbm>>
        %dma_start3A_30 = tpu.memref_slice %arg4[%add3A_24] : memref<323584xi32, #tpu.memory_space<hbm>> -> memref<128xi32, #tpu.memory_space<hbm>>
        tpu.enqueue_dma source(%dma_start3A_30 : memref<128xi32, #tpu.memory_space<hbm>>) target(%arg8 : memref<128xi32, #tpu.memory_space<vmem>>) target_semaphore(%run_scoped3A : memref<!tpu.dma_semaphore, #tpu.memory_space<semaphore_mem>>)
        %dma_wait3A_31 = tpu.memref_slice %arg4[%add3A_24] : memref<323584xi32, #tpu.memory_space<hbm>> -> memref<128xi32, #tpu.memory_space<hbm>>
        %dma_wait3A_32 = tpu.memref_slice %arg4[%add3A_24] : memref<323584xi32, #tpu.memory_space<hbm>> -> memref<128xi32, #tpu.memory_space<hbm>>
        tpu.wait_dma2 semaphore(%run_scoped3A : memref<!tpu.dma_semaphore, #tpu.memory_space<semaphore_mem>>) src(%dma_wait3A_32 : memref<128xi32, #tpu.memory_space<hbm>>) dst(%arg8 : memref<128xi32, #tpu.memory_space<vmem>>)
        tpu.yield
      }) : () -> ()
      %dma_start3A = arith.constant 0 : i32
      %dma_start3A_25 = arith.constant 0 : i32
      %dma_start3A_26 = tpu.memref_slice %arg2[%dma_start3A, %dma_start3A_25] : memref<10000x128xf32, #tpu.memory_space<hbm>> -> memref<10000x128xf32, #tpu.memory_space<hbm>>
      tpu.enqueue_indirect_dma source(%dma_start3A_26 : memref<10000x128xf32, #tpu.memory_space<hbm>>) target(%arg9 : memref<128x128xf32, #tpu.memory_space<vmem>>) offsets(%arg7 : memref<128xi32, #tpu.memory_space<vmem>>) semaphore(%arg11 : memref<!tpu.dma_semaphore, #tpu.memory_space<semaphore_mem>>)
      %dma_wait3A = arith.constant 0 : i32
      %dma_wait3A_27 = arith.constant 0 : i32
      %dma_wait3A_28 = tpu.memref_slice %arg2[%dma_wait3A, %dma_wait3A_27] : memref<10000x128xf32, #tpu.memory_space<hbm>> -> memref<10000x128xf32, #tpu.memory_space<hbm>>
      tpu.wait_indirect_dma semaphore(%arg11 : memref<!tpu.dma_semaphore, #tpu.memory_space<semaphore_mem>>) src(%dma_wait3A_28 : memref<10000x128xf32, #tpu.memory_space<hbm>>) dst(%arg9 : memref<128x128xf32, #tpu.memory_space<vmem>>)
      "tpu.region"() ({
        %run_scoped3A = tpu.sem_alloc : memref<!tpu.dma_semaphore, #tpu.memory_space<semaphore_mem>>
        %dma_start3A_29 = arith.constant 0 : i32
        %dma_start3A_30 = arith.constant 0 : i32
        %dma_start3A_31 = tpu.memref_slice %arg10[%dma_start3A_29, %dma_start3A_30] : memref<10240x128xf32, #tpu.memory_space<vmem_shared>> -> memref<10240x128xf32, #tpu.memory_space<vmem_shared>>
        tpu.enqueue_indirect_dma source(%arg9 : memref<128x128xf32, #tpu.memory_space<vmem>>) target(%dma_start3A_31 : memref<10240x128xf32, #tpu.memory_space<vmem_shared>>) offsets(%arg8 : memref<128xi32, #tpu.memory_space<vmem>>) semaphore(%run_scoped3A : memref<!tpu.dma_semaphore, #tpu.memory_space<semaphore_mem>>) {add = true}
        %dma_wait3A_32 = arith.constant 0 : i32
        %dma_wait3A_33 = arith.constant 0 : i32
        %dma_wait3A_34 = tpu.memref_slice %arg10[%dma_wait3A_32, %dma_wait3A_33] : memref<10240x128xf32, #tpu.memory_space<vmem_shared>> -> memref<10240x128xf32, #tpu.memory_space<vmem_shared>>
        tpu.wait_indirect_dma semaphore(%run_scoped3A : memref<!tpu.dma_semaphore, #tpu.memory_space<semaphore_mem>>) src(%arg9 : memref<128x128xf32, #tpu.memory_space<vmem>>) dst(%dma_wait3A_34 : memref<10240x128xf32, #tpu.memory_space<vmem_shared>>)
        tpu.yield
      }) : () -> ()
    }
    %scan3A_11 = arith.constant 79 : i32
    %barrier3A_12 = arith.constant 0 : index
    tpu.barrier barrier_id(%barrier3A_12)
    %scan3A_13 = arith.constant 0 : i32
    %scan3A_14 = arith.constant 0 : i32
    %scan3A_15 = arith.constant 5 : i32
    %scan3A_16 = arith.addi %scan3A_14, %scan3A_15 : i32
    %scan3A_17 = arith.constant 1 : i32
    scf.for %scan3A_19 = %scan3A_14 to %scan3A_16 step %scan3A_17  : i32 {
      %mul3A_20 = arith.constant 640 : i32
      %mul3A_21 = arith.muli %arg1, %mul3A_20 : i32
      %mul3A_22 = arith.constant 128 : i32
      %mul3A_23 = arith.muli %scan3A_19, %mul3A_22 : i32
      %add3A_24 = arith.addi %mul3A_21, %mul3A_23 : i32
      "tpu.region"() ({
        %run_scoped3A = tpu.sem_alloc : memref<!tpu.dma_semaphore, #tpu.memory_space<semaphore_mem>>
        %dma_start3A = arith.constant 0 : i32
        %dma_start3A_25 = tpu.memref_slice %arg10[%add3A_24, %dma_start3A] : memref<10240x128xf32, #tpu.memory_space<vmem_shared>> -> memref<128x128xf32, #tpu.memory_space<vmem_shared>>
        %dma_start3A_26 = arith.constant 0 : i32
        %dma_start3A_27 = tpu.memref_slice %arg10[%add3A_24, %dma_start3A_26] : memref<10240x128xf32, #tpu.memory_space<vmem_shared>> -> memref<128x128xf32, #tpu.memory_space<vmem_shared>>
        tpu.enqueue_dma source(%dma_start3A_27 : memref<128x128xf32, #tpu.memory_space<vmem_shared>>) target(%arg9 : memref<128x128xf32, #tpu.memory_space<vmem>>) target_semaphore(%run_scoped3A : memref<!tpu.dma_semaphore, #tpu.memory_space<semaphore_mem>>)
        %dma_wait3A = arith.constant 0 : i32
        %dma_wait3A_28 = tpu.memref_slice %arg10[%add3A_24, %dma_wait3A] : memref<10240x128xf32, #tpu.memory_space<vmem_shared>> -> memref<128x128xf32, #tpu.memory_space<vmem_shared>>
        %dma_wait3A_29 = arith.constant 0 : i32
        %dma_wait3A_30 = tpu.memref_slice %arg10[%add3A_24, %dma_wait3A_29] : memref<10240x128xf32, #tpu.memory_space<vmem_shared>> -> memref<128x128xf32, #tpu.memory_space<vmem_shared>>
        tpu.wait_dma2 semaphore(%run_scoped3A : memref<!tpu.dma_semaphore, #tpu.memory_space<semaphore_mem>>) src(%dma_wait3A_30 : memref<128x128xf32, #tpu.memory_space<vmem_shared>>) dst(%arg9 : memref<128x128xf32, #tpu.memory_space<vmem>>)
        tpu.yield
      }) : () -> ()
      "tpu.region"() ({
        %run_scoped3A = tpu.sem_alloc : memref<!tpu.dma_semaphore, #tpu.memory_space<semaphore_mem>>
        %dma_start3A = arith.constant 0 : i32
        %dma_start3A_25 = tpu.memref_slice %arg6[%arg0, %add3A_24, %dma_start3A] : memref<2x10240x128xf32, #tpu.memory_space<hbm>> -> memref<1x128x128xf32, #tpu.memory_space<hbm>>
        %dma_start3A_26 = tpu.memref_squeeze %dma_start3A_25 : memref<1x128x128xf32, #tpu.memory_space<hbm>> -> memref<128x128xf32, #tpu.memory_space<hbm>>
        %dma_start3A_27 = arith.constant 0 : i32
        %dma_start3A_28 = tpu.memref_slice %arg6[%arg0, %add3A_24, %dma_start3A_27] : memref<2x10240x128xf32, #tpu.memory_space<hbm>> -> memref<1x128x128xf32, #tpu.memory_space<hbm>>
        %dma_start3A_29 = tpu.memref_squeeze %dma_start3A_28 : memref<1x128x128xf32, #tpu.memory_space<hbm>> -> memref<128x128xf32, #tpu.memory_space<hbm>>
        tpu.enqueue_dma source(%arg9 : memref<128x128xf32, #tpu.memory_space<vmem>>) target(%dma_start3A_29 : memref<128x128xf32, #tpu.memory_space<hbm>>) target_semaphore(%run_scoped3A : memref<!tpu.dma_semaphore, #tpu.memory_space<semaphore_mem>>)
        %dma_wait3A = arith.constant 0 : i32
        %dma_wait3A_30 = tpu.memref_slice %arg6[%arg0, %add3A_24, %dma_wait3A] : memref<2x10240x128xf32, #tpu.memory_space<hbm>> -> memref<1x128x128xf32, #tpu.memory_space<hbm>>
        %dma_wait3A_31 = tpu.memref_squeeze %dma_wait3A_30 : memref<1x128x128xf32, #tpu.memory_space<hbm>> -> memref<128x128xf32, #tpu.memory_space<hbm>>
        %dma_wait3A_32 = arith.constant 0 : i32
        %dma_wait3A_33 = tpu.memref_slice %arg6[%arg0, %add3A_24, %dma_wait3A_32] : memref<2x10240x128xf32, #tpu.memory_space<hbm>> -> memref<1x128x128xf32, #tpu.memory_space<hbm>>
        %dma_wait3A_34 = tpu.memref_squeeze %dma_wait3A_33 : memref<1x128x128xf32, #tpu.memory_space<hbm>> -> memref<128x128xf32, #tpu.memory_space<hbm>>
        tpu.wait_dma2 semaphore(%run_scoped3A : memref<!tpu.dma_semaphore, #tpu.memory_space<semaphore_mem>>) src(%arg9 : memref<128x128xf32, #tpu.memory_space<vmem>>) dst(%dma_wait3A_34 : memref<128x128xf32, #tpu.memory_space<hbm>>)
        tpu.yield
      }) : () -> ()
    }
    %scan3A_18 = arith.constant 5 : i32
    return
  }
}

module attributes {stable_mosaic.version = 14 : i64} {
  func.func @_tc_body(%arg0: i32, %arg1: memref<2x2000x128xf32, #tpu.memory_space<vmem>>, %arg2: memref<2000x1xf32, #tpu.memory_space<vmem>>, %arg3: memref<2000x128xf32, #tpu.memory_space<vmem>>, %arg4: memref<128x128xf32, #tpu.memory_space<vmem>>, %arg5: memref<1x128xf32, #tpu.memory_space<vmem>>, %arg6: memref<2000x128xf32, #tpu.memory_space<vmem>>) attributes {dimension_semantics = [#tpu.dimension_semantics<arbitrary>], iteration_bounds = array<i64: 5>, scalar_prefetch = 0 : i64, scratch_operands = 0 : i64, tpu.core_type = #tpu.core_type<tc>, window_params = [{transform_indices = @transform_0, window_bounds = array<i64: 2, 2000, 128>}, {transform_indices = @transform_1, window_bounds = array<i64: 2000, 1>}, {transform_indices = @transform_2, window_bounds = array<i64: 2000, 128>}, {pipeline_mode = #tpu.pipeline_mode<synchronous>, transform_indices = @transform_3, window_bounds = array<i64: 128, 128>}, {pipeline_mode = #tpu.pipeline_mode<synchronous>, transform_indices = @transform_4, window_bounds = array<i64: 1, 128>}, {transform_indices = @transform_5, window_bounds = array<i64: 2000, 128>}]} {
    %get3A = arith.constant 0 : index
    %get3A_0 = arith.constant 0 : index
    %get3A_1 = arith.constant 0 : index
    %get3A_2 = vector.load %arg1[%get3A, %get3A_0, %get3A_1] : memref<2x2000x128xf32, #tpu.memory_space<vmem>>, vector<1x2000x128xf32>
    %get3A_3 = vector.shape_cast %get3A_2 : vector<1x2000x128xf32> to vector<2000x128xf32>
    %get3A_4 = arith.constant 1 : index
    %get3A_5 = arith.constant 0 : index
    %get3A_6 = arith.constant 0 : index
    %get3A_7 = vector.load %arg1[%get3A_4, %get3A_5, %get3A_6] : memref<2x2000x128xf32, #tpu.memory_space<vmem>>, vector<1x2000x128xf32>
    %get3A_8 = vector.shape_cast %get3A_7 : vector<1x2000x128xf32> to vector<2000x128xf32>
    %add3A = arith.addf %get3A_3, %get3A_8 : vector<2000x128xf32>
    %get3A_9 = arith.constant 0 : index
    %get3A_10 = arith.constant 0 : index
    %get3A_11 = vector.load %arg3[%get3A_9, %get3A_10] : memref<2000x128xf32, #tpu.memory_space<vmem>>, vector<2000x128xf32>
    %add3A_12 = arith.addf %add3A, %get3A_11 : vector<2000x128xf32>
    %get3A_13 = arith.constant 0 : index
    %get3A_14 = arith.constant 0 : index
    %get3A_15 = vector.load %arg2[%get3A_13, %get3A_14] : memref<2000x1xf32, #tpu.memory_space<vmem>>, vector<2000x1xf32>
    %div3A = vector.broadcast %get3A_15 : vector<2000x1xf32> to vector<2000x128xf32>
    %div3A_16 = arith.divf %add3A_12, %div3A : vector<2000x128xf32>
    %get3A_17 = arith.constant 0 : index
    %get3A_18 = arith.constant 0 : index
    %get3A_19 = vector.load %arg4[%get3A_17, %get3A_18] : memref<128x128xf32, #tpu.memory_space<vmem>>, vector<128x128xf32>
    %dot_general3A = arith.constant dense<0.000000e+00> : vector<2000x128xf32>
    %dot_general3A_20 = tpu.matmul %div3A_16, %get3A_19, %dot_general3A {dimension_numbers = #tpu.dot_dimension_numbers<[1], [1], [0], [0], [0, 0, 1, 0], [], []>, transpose_lhs_hint = false} : vector<2000x128xf32>, vector<128x128xf32>, vector<2000x128xf32> -> vector<2000x128xf32>
    %get3A_21 = arith.constant 0 : index
    %get3A_22 = arith.constant 0 : index
    %get3A_23 = vector.load %arg5[%get3A_21, %get3A_22] : memref<1x128xf32, #tpu.memory_space<vmem>>, vector<1x128xf32>
    %add3A_24 = vector.broadcast %get3A_23 : vector<1x128xf32> to vector<2000x128xf32>
    %add3A_25 = arith.addf %dot_general3A_20, %add3A_24 : vector<2000x128xf32>
    %max3A = arith.constant 0.000000e+00 : f32
    %max3A_26 = vector.broadcast %max3A : f32 to vector<2000x128xf32>
    %max3A_27 = arith.maximumf %add3A_25, %max3A_26 : vector<2000x128xf32>
    %swap3A = arith.constant 0 : index
    %swap3A_28 = arith.constant 0 : index
    %swap3A_29 = vector.load %arg6[%swap3A, %swap3A_28] : memref<2000x128xf32, #tpu.memory_space<vmem>>, vector<2000x128xf32>
    tpu.vector_store %arg6[%swap3A, %swap3A_28], %max3A_27 {strides = array<i32>} : memref<2000x128xf32, #tpu.memory_space<vmem>>, vector<2000x128xf32>,
    return
  }
  func.func @transform_0(%arg0: i32) -> (i32, i32, i32) {
    %c0_i32 = arith.constant 0 : i32
    %c0_i32_0 = arith.constant 0 : i32
    %c0_i32_1 = arith.constant 0 : i32
    return %c0_i32, %arg0, %c0_i32_0 : i32, i32, i32
  }
  func.func @transform_1(%arg0: i32) -> (i32, i32) {
    %c0_i32 = arith.constant 0 : i32
    %c0_i32_0 = arith.constant 0 : i32
    return %arg0, %c0_i32 : i32, i32
  }
  func.func @transform_2(%arg0: i32) -> (i32, i32) {
    %c0_i32 = arith.constant 0 : i32
    %c0_i32_0 = arith.constant 0 : i32
    return %arg0, %c0_i32 : i32, i32
  }
  func.func @transform_3(%arg0: i32) -> (i32, i32) {
    %c0_i32 = arith.constant 0 : i32
    %c0_i32_0 = arith.constant 0 : i32
    %c0_i32_1 = arith.constant 0 : i32
    return %c0_i32, %c0_i32_0 : i32, i32
  }
  func.func @transform_4(%arg0: i32) -> (i32, i32) {
    %c0_i32 = arith.constant 0 : i32
    %c0_i32_0 = arith.constant 0 : i32
    %c0_i32_1 = arith.constant 0 : i32
    return %c0_i32, %c0_i32_0 : i32, i32
  }
  func.func @transform_5(%arg0: i32) -> (i32, i32) {
    %c0_i32 = arith.constant 0 : i32
    %c0_i32_0 = arith.constant 0 : i32
    return %arg0, %c0_i32 : i32, i32
  }
}

module attributes {stable_mosaic.version = 14 : i64} {
  func.func @_tc_body(%arg0: i32, %arg1: memref<2x2000x128xf32, #tpu.memory_space<vmem>>, %arg2: memref<2000x1xf32, #tpu.memory_space<vmem>>, %arg3: memref<2000x128xf32, #tpu.memory_space<vmem>>, %arg4: memref<128x128xf32, #tpu.memory_space<vmem>>, %arg5: memref<1x128xf32, #tpu.memory_space<vmem>>, %arg6: memref<2000x128xf32, #tpu.memory_space<vmem>>) attributes {dimension_semantics = [#tpu.dimension_semantics<arbitrary>], iteration_bounds = array<i64: 5>, scalar_prefetch = 0 : i64, scratch_operands = 0 : i64, tpu.core_type = #tpu.core_type<tc>, window_params = [{transform_indices = @transform_0, window_bounds = array<i64: 2, 2000, 128>}, {transform_indices = @transform_1, window_bounds = array<i64: 2000, 1>}, {transform_indices = @transform_2, window_bounds = array<i64: 2000, 128>}, {pipeline_mode = #tpu.pipeline_mode<synchronous>, transform_indices = @transform_3, window_bounds = array<i64: 128, 128>}, {pipeline_mode = #tpu.pipeline_mode<synchronous>, transform_indices = @transform_4, window_bounds = array<i64: 1, 128>}, {transform_indices = @transform_5, window_bounds = array<i64: 2000, 128>}]} {
    %get3A = arith.constant 0 : index
    %get3A_0 = arith.constant 0 : index
    %get3A_1 = arith.constant 0 : index
    %get3A_2 = vector.load %arg1[%get3A, %get3A_0, %get3A_1] : memref<2x2000x128xf32, #tpu.memory_space<vmem>>, vector<1x2000x128xf32>
    %get3A_3 = vector.shape_cast %get3A_2 : vector<1x2000x128xf32> to vector<2000x128xf32>
    %get3A_4 = arith.constant 1 : index
    %get3A_5 = arith.constant 0 : index
    %get3A_6 = arith.constant 0 : index
    %get3A_7 = vector.load %arg1[%get3A_4, %get3A_5, %get3A_6] : memref<2x2000x128xf32, #tpu.memory_space<vmem>>, vector<1x2000x128xf32>
    %get3A_8 = vector.shape_cast %get3A_7 : vector<1x2000x128xf32> to vector<2000x128xf32>
    %add3A = arith.addf %get3A_3, %get3A_8 : vector<2000x128xf32>
    %get3A_9 = arith.constant 0 : index
    %get3A_10 = arith.constant 0 : index
    %get3A_11 = vector.load %arg3[%get3A_9, %get3A_10] : memref<2000x128xf32, #tpu.memory_space<vmem>>, vector<2000x128xf32>
    %add3A_12 = arith.addf %add3A, %get3A_11 : vector<2000x128xf32>
    %get3A_13 = arith.constant 0 : index
    %get3A_14 = arith.constant 0 : index
    %get3A_15 = vector.load %arg2[%get3A_13, %get3A_14] : memref<2000x1xf32, #tpu.memory_space<vmem>>, vector<2000x1xf32>
    %div3A = vector.broadcast %get3A_15 : vector<2000x1xf32> to vector<2000x128xf32>
    %div3A_16 = arith.divf %add3A_12, %div3A : vector<2000x128xf32>
    %get3A_17 = arith.constant 0 : index
    %get3A_18 = arith.constant 0 : index
    %get3A_19 = vector.load %arg4[%get3A_17, %get3A_18] : memref<128x128xf32, #tpu.memory_space<vmem>>, vector<128x128xf32>
    %dot_general3A = arith.constant dense<0.000000e+00> : vector<2000x128xf32>
    %dot_general3A_20 = tpu.matmul %div3A_16, %get3A_19, %dot_general3A {dimension_numbers = #tpu.dot_dimension_numbers<[1], [1], [0], [0], [0, 0, 1, 0], [], []>, transpose_lhs_hint = false} : vector<2000x128xf32>, vector<128x128xf32>, vector<2000x128xf32> -> vector<2000x128xf32>
    %get3A_21 = arith.constant 0 : index
    %get3A_22 = arith.constant 0 : index
    %get3A_23 = vector.load %arg5[%get3A_21, %get3A_22] : memref<1x128xf32, #tpu.memory_space<vmem>>, vector<1x128xf32>
    %add3A_24 = vector.broadcast %get3A_23 : vector<1x128xf32> to vector<2000x128xf32>
    %add3A_25 = arith.addf %dot_general3A_20, %add3A_24 : vector<2000x128xf32>
    %swap3A = arith.constant 0 : index
    %swap3A_26 = arith.constant 0 : index
    %swap3A_27 = vector.load %arg6[%swap3A, %swap3A_26] : memref<2000x128xf32, #tpu.memory_space<vmem>>, vector<2000x128xf32>
    tpu.vector_store %arg6[%swap3A, %swap3A_26], %add3A_25 {strides = array<i32>} : memref<2000x128xf32, #tpu.memory_space<vmem>>, vector<2000x128xf32>,
    return
  }
  func.func @transform_0(%arg0: i32) -> (i32, i32, i32) {
    %c0_i32 = arith.constant 0 : i32
    %c0_i32_0 = arith.constant 0 : i32
    %c0_i32_1 = arith.constant 0 : i32
    return %c0_i32, %arg0, %c0_i32_0 : i32, i32, i32
  }
  func.func @transform_1(%arg0: i32) -> (i32, i32) {
    %c0_i32 = arith.constant 0 : i32
    %c0_i32_0 = arith.constant 0 : i32
    return %arg0, %c0_i32 : i32, i32
  }
  func.func @transform_2(%arg0: i32) -> (i32, i32) {
    %c0_i32 = arith.constant 0 : i32
    %c0_i32_0 = arith.constant 0 : i32
    return %arg0, %c0_i32 : i32, i32
  }
  func.func @transform_3(%arg0: i32) -> (i32, i32) {
    %c0_i32 = arith.constant 0 : i32
    %c0_i32_0 = arith.constant 0 : i32
    %c0_i32_1 = arith.constant 0 : i32
    return %c0_i32, %c0_i32_0 : i32, i32
  }
  func.func @transform_4(%arg0: i32) -> (i32, i32) {
    %c0_i32 = arith.constant 0 : i32
    %c0_i32_0 = arith.constant 0 : i32
    %c0_i32_1 = arith.constant 0 : i32
    return %c0_i32, %c0_i32_0 : i32, i32
  }
  func.func @transform_5(%arg0: i32) -> (i32, i32) {
    %c0_i32 = arith.constant 0 : i32
    %c0_i32_0 = arith.constant 0 : i32
    return %arg0, %c0_i32 : i32, i32
  }
}

</mosaic_0001>

<sc_bundles>
// kernel: kernel.6.cloned.1.call-start
scs
__scs_entry_jumppad:
0x0: {  	(pc) =	sbr.rel $0x88, $3  }
0x1: {  	(tag) =	ssettag $0x0;
	lr =	simm.s32 $0x1  }
0x2: {  	[smem:$0x3F9B] =	sst lr;
	_ =	strace $0xD0000000  }
0x3: {  	_ = 	snop  }
0x4: {  	_ = 	snop  }
0x5: {  	_ = 	snop  }
0x6: {  	_ = 	snop  }
0x7: {  	_ = 	snop  }
__scs_overlays_trampoline_lowered:
0x8: {  	[smem:$0x3FAA] =	sst s0  }
0x9: {  	[smem:$0x3FAB] =	sst s1  }
0xa: {  	[smem:$0x3FAC] =	sst s2  }
0xb: {  	[smem:$0x3FAD] =	sst s3  }
0xc: {  	[smem:$0x3FAE] =	sst s4  }
0xd: {  	[smem:$0x3FAF] =	sst s5  }
0xe: {  	[smem:$0x3FB0] =	sst s6  }
0xf: {  	[smem:$0x3FB1] =	sst s7  }
0x10: {  	[smem:$0x3FB2] =	sst s8  }
0x11: {  	[smem:$0x3FB3] =	sst s9;
	s0 =	simm.s32 @!p0 $0x0  }
0x12: {  	s1 =	sld [smem:$0x3F99];
	s0 =	simm.s32 @p0 $0x1  }
0x13: {  	[smem:$0x3FB4] =	sst s0;
	s0 =	simm.s32 @!p1 $0x0  }
0x14: {  	s2 =	sld [smem:$0x3F98];
	s0 =	simm.s32 @p1 $0x1  }
0x15: {  	[smem:$0x3FB5] =	sst s0;
	s0 =	simm.s32 @!p2 $0x0  }
0x16: {  	s3 =	sld [smem:$0x3FDB];
	s0 =	simm.s32 @p2 $0x1  }
0x17: {  	s4 =	simm.s32 $0x1BF5;
	[smem:$0x3FB7] =	sst s0  }
0x18: {  	s0 =	sld [smem:$0x3F9A];
	_ =	swait.ge [sflag:s4], $0x0  }
0x19: {  	s7 =	sld [smem:$0x3F9B]  }
0x1a: {  	s8 =	sadd.s32 $0xFFFFE003, lr  }
0x1b: {  	s9 =	sadd.s32 $0xFFFFFEF7, lr;
	s5 =	simm.s32 $0xFFFFFFFF;
	p2 =	slt.u32 s8, $0xFFFFF086  }
0x1c: {  	p1 =	slt.u32 s9, $0xF7A;
	s5 =	simm.s32 @!p2 $0x0  }
0x1d: {  	s5 =	simm.s32 @p1 $0x1;
	p0 =	seq.s32 s7, s2  }
0x1e: {  	s7 =	smul.u32 @!p0 $0xF7A, s2;
	p2 =	seq.s32 @!p0 s5, $0x0  }
0x1f: {  	s9 =	smul.u32 $0xF7A, s1;
	s8 =	simm.s32 @!p0 $0x1BF5;
	p2 =	por !p2, p0  }
0x20: {  	[sflag:s8] =	ssyncset.s32 @!p0 $0xFFFFF086;
	s6 =	sadd.s32 @!p0 s3, s7;
	s7 =	simm.s32 @!p0 $0x108  }
0x21: {  	s3 =	sadd.s32 s3, s9;
	s6 =	sadd.s32 @!p0 $0x88, s6;
	s7 =	simm.s32 @p2 $0x1082  }
0x22: {  	[simem:s7], [sflag:s8] =	dma.local @!p0 [hbm:s6], $0xF7A  }
0x23: {  	s9 =	sor.u32 $0xD0000000, s2;
	s6 =	simm.s32 $0x108;
	_ =	swait.ge @!p0 [sflag:s8], $0x0  }
0x24: {  	s3 =	sadd.s32 $0x88, s3;
	s6 =	simm.s32 @!p1 $0x1082;
	[sflag:s4] =	ssyncset.s32 $0xFFFFF086  }
0x25: {  	[simem:s6], [sflag:s4] =	dma.local [hbm:s3], $0xF7A  }
0x26: {  	[smem:$0x3F9B] =	sst s1;
	(tag) =	ssettag s2;
	_ =	strace s9  }
0x27: {  	s1 =	sld [smem:$0x3FAB]  }
0x28: {  	s2 =	sld [smem:$0x3FAC]  }
0x29: {  	s4 =	sld [smem:$0x3FAE]  }
0x2a: {  	p0 =	seq.s32 s5, $0x0;
	s5 =	sld [smem:$0x3FAF]  }
0x2b: {  	s6 =	sld [smem:$0x3FB0]  }
0x2c: {  	s7 =	sld [smem:$0x3FB1]  }
0x2d: {  	s3 =	simm.s32 $0x108;
	s8 =	sld [smem:$0x3FB2]  }
0x2e: {  	s3 =	simm.s32 @!p0 $0x1082;
	s9 =	sld [smem:$0x3FB3]  }
0x2f: {  	lr =	sadd.s32 s0, s3;
	s0 =	sld [smem:$0x3FAA]  }
0x30: {  	s3 =	sld [smem:$0x3FAD]  }
0x31: {  	[smem:$0x3FB6] =	sst s10  }
0x32: {  	s10 =	sld [smem:$0x3FB4];
	_ =	sdelay $0x3  }
0x33: {  	p0 =	seq.s32 s10, $0x1;
	s10 =	sld [smem:$0x3FB6];
	_ =	sdelay $0x3  }
0x34: {  	[smem:$0x3FB6] =	sst s10  }
0x35: {  	s10 =	sld [smem:$0x3FB5];
	_ =	sdelay $0x3  }
0x36: {  	p1 =	seq.s32 s10, $0x1;
	s10 =	sld [smem:$0x3FB6];
	_ =	sdelay $0x3  }
0x37: {  	[smem:$0x3FB6] =	sst s10  }
0x38: {  	s10 =	sld [smem:$0x3FB7]  }
0x39: {  	_ = 	snop;
	(pc) =	sbr.ind lr, $3  }
0x3a: {  	_ = 	snop  }
0x3b: {  	_ = 	snop  }
0x3c: {  	p2 =	seq.s32 s10, $0x1;
	s10 =	sld [smem:$0x3FB6]  }
0x3d: {  	_ =	shalt  }
0x3e: {  	_ =	shalt  }
0x3f: {  	_ =	shalt  }
0x40: {  	_ =	shalt  }
0x41: {  	_ =	shalt  }
0x42: {  	_ =	shalt  }
0x43: {  	_ =	shalt  }
0x44: {  	_ =	shalt  }
0x45: {  	_ =	shalt  }
0x46: {  	_ =	shalt  }
0x47: {  	_ =	shalt  }
0x48: {  	_ =	shalt  }
0x49: {  	_ =	shalt  }
0x4a: {  	_ =	shalt  }
0x4b: {  	_ =	shalt  }
0x4c: {  	_ =	shalt  }
0x4d: {  	_ =	shalt  }
0x4e: {  	_ =	shalt  }
0x4f: {  	_ =	shalt  }
0x50: {  	_ =	shalt  }
0x51: {  	_ =	shalt  }
0x52: {  	_ =	shalt  }
0x53: {  	_ =	shalt  }
0x54: {  	_ =	shalt  }
0x55: {  	_ =	shalt  }
0x56: {  	_ =	shalt  }
0x57: {  	_ =	shalt  }
0x58: {  	_ =	shalt  }
0x59: {  	_ =	shalt  }
0x5a: {  	_ =	shalt  }
0x5b: {  	_ =	shalt  }
0x5c: {  	_ =	shalt  }
0x5d: {  	_ =	shalt  }
0x5e: {  	_ =	shalt  }
0x5f: {  	_ =	shalt  }
0x60: {  	_ =	shalt  }
0x61: {  	_ =	shalt  }
0x62: {  	_ =	shalt  }
0x63: {  	_ =	shalt  }
0x64: {  	_ =	shalt  }
0x65: {  	_ =	shalt  }
0x66: {  	_ =	shalt  }
0x67: {  	_ =	shalt  }
0x68: {  	_ =	shalt  }
0x69: {  	_ =	shalt  }
0x6a: {  	_ =	shalt  }
0x6b: {  	_ =	shalt  }
0x6c: {  	_ =	shalt  }
0x6d: {  	_ =	shalt  }
0x6e: {  	_ =	shalt  }
0x6f: {  	_ =	shalt  }
0x70: {  	_ =	shalt  }
0x71: {  	_ =	shalt  }
0x72: {  	_ =	shalt  }
0x73: {  	_ =	shalt  }
0x74: {  	_ =	shalt  }
0x75: {  	_ =	shalt  }
0x76: {  	_ =	shalt  }
0x77: {  	_ =	shalt  }
0x78: {  	_ =	shalt  }
0x79: {  	_ =	shalt  }
0x7a: {  	_ =	shalt  }
0x7b: {  	_ =	shalt  }
0x7c: {  	_ =	shalt  }
0x7d: {  	_ =	shalt  }
0x7e: {  	_ =	shalt  }
0x7f: {  	_ =	shalt  }
0x80: {  	_ =	shalt  }
0x81: {  	_ =	shalt  }
0x82: {  	_ =	shalt  }
0x83: {  	_ =	shalt  }
0x84: {  	_ =	shalt  }
0x85: {  	_ =	shalt  }
0x86: {  	_ =	shalt  }
0x87: {  	_ =	shalt  }
.Lfunc_end0:
.L_simem_size_0:
called_computation_lowered:
.L_overlay_start_0:
0x88: {  	s2 =	sld [smem:$0x3FD9]  }
0x89: {  	s3 =	sld [smem:$0x3FFE];
	_ =	sdelay $0x1  }
0x8a: {  	s1 =	srdreg.scid  }
0x8b: {  	s0 =	sand.u32 $0x1, s1  }
0x8c: {  	s17 =	sshll.u32 s0, $0xA;
	s2 =	sadd.s32 s3, s2  }
0x8d: {  	s2 =	sadd.s32 s2, s17  }
0x8e: {  	[smem:$0x3FC2] =	sst s2  }
0x8f: {  	_ = 	snop  }
0x90: {  	s2 =	sld [smem:$0x3FC9]  }
0x91: {  	s18 =	sld [smem:$0x3FD0];
	(tm) =	ssettm $0x1  }
0x92: {  	s4 =	sld [smem:$0x3FFB];
	_ =	sdelay $0x3  }
0x93: {  	_ =	strace s4  }
0x94: {  	s4 =	sld [smem:$0x3FFC];
	_ =	sdelay $0x3  }
0x95: {  	_ =	strace s4  }
0x96: {  	s4 =	sld [smem:$0x3FFD];
	_ =	sdelay $0x3  }
0x97: {  	_ =	strace s4  }
0x98: {  	_ =	strace $0x8FFFFFFF  }
0x99: {  	s19 =	sld [smem:$0x3FDB];
	_ =	sdelay $0x1  }
0x9a: {  	s5 =	simm.s32 $_scs_section_size  }
0x9b: {  	s6 =	simm.s32 $_size__tile_overlayer_lowered;
	s7 =	simm.s32 $_tile_overlayer_lowered  }
0x9c: {  	s22 =	simm.s32 $0x1BFF;
	s21 =	sshll.u32 s7, $0x1;
	s4 =	sadd.s32 s5, s19  }
0x9d: {  	s8 =	simm.s32 $0x0;
	s20 =	sshll.u32 s6, $0x1;
	s6 =	sadd.s32 s21, s4  }
0x9e: {  	[timem:s8], [sflag:s22] =	dma.local [hbm:s6], s20  }
0x9f: {  	_ =	swait.ge [sflag:s22], s20  }
0xa0: {  	s5 =	ssub.s32 $0x0, s20;
	[sflag:s22] =	ssyncset.done $0x0  }
0xa1: {  	[sflag:s22] =	ssyncadd.s32 s5;
	_ =	sdelay $0x1  }
0xa2: {  	s23 =	simm.s32 $0x1B8B  }
0xa3: {  	_ =	swait.ge [sflag:s23], $0x1  }
0xa4: {  	[sflag:s23] =	ssyncset.done $0x0  }
0xa5: {  	s25 =	simm.s32 $0x1B8E;
	s24 =	sld [smem:$0x3FFE];
	[sflag:s23] =	ssyncadd.s32 $0xFFFFFFFF  }
0xa6: {  	s26 =	simm.s32 $execute0_lowered;
	[smem:$0x3FD2] =	sst s25  }
0xa7: {  	s6 =	sshll.u32 s26, $0x1;
	_ =	strace $0x80000046;
	[dreg:$0x1] =	wrdreg $0xFFFFFFFF  }
0xa8: {  	s28 =	simm.s32 $_size_execute0_lowered;
	s4 =	sadd.s32 s4, s6;
	[dreg:$0x0] =	wrdreg $0x0  }
0xa9: {  	s6 =	sshll.u32 s28, $0x1;
	[dreg:$0x2] =	wrdreg s4  }
0xaa: {  	[dreg:$0x3] =	wrdreg s6  }
0xab: {  	[dreg:$0x4] =	wrdreg $0xC0  }
0xac: {  	_ =	task [dreg:s8], $0x5FFFF  }
0xad: {  	[dreg:$0x1] =	wrdreg $0xFFFFFFFF  }
0xae: {  	[dreg:$0x0] =	wrdreg $0x60  }
0xaf: {  	[dreg:$0x2] =	wrdreg s2  }
0xb0: {  	[dreg:$0x3] =	wrdreg s24  }
0xb1: {  	[dreg:$0x4] =	wrdreg s18  }
0xb2: {  	[dreg:$0x5] =	wrdreg $0x81000  }
0xb3: {  	[dreg:$0x6] =	wrdreg $0x9  }
0xb4: {  	_ =	task.clear_ibuf [dreg:s8], $0x7FFFF;
	_ =	strace $0x90000046  }
0xb5: {  	s29 =	simm.s32 $0x9;
	_ =	strace $0x80000048  }
0xb6: {  	_ =	swait.ge [sflag:s29], $0x1  }
0xb7: {  	[sflag:s29] =	ssyncadd.s32 $0xFFFFFFFF  }
0xb8: {  	_ =	strace $0x90000048  }
0xb9: {  	_ =	sfence  }
0xba: {  	s30 =	sld [smem:$0x0];
	_ =	sdelay $0x2  }
0xbb: {  	s31 =	sshll.u32 s1, $0xD;
	s1 =	sshrl.u32 s1, $0x2  }
0xbc: {  	s3 =	sand.u32 $0x4000, s31;
	s1 =	sadd.s32 s1, s30  }
0xbd: {  	s0 =	sor.u32 s3, s0;
	s1 =	sshll.u32 s1, $0x11  }
0xbe: {  	s0 =	sor.u32 s1, s0  }
0xbf: {  	s0 =	sadd.s32 $0x8F2B, s0  }
0xc0: {  	[sflag:s0] =	ssyncadd.remote.s32 $0x1  }
0xc1: {  	_ =	sfence.sel $0xFFFF  }
0xc2: {  	[dreg:$0x0] =	wrdreg $0xFFFFFFFF;
	(pc) =	sbr.abs _section_cstart, $3  }
0xc3: {  	[dreg:$0x1] =	wrdreg $0xFFFFFFFF  }
0xc4: {  	_ =	task.clear_ibuf [dreg:s8], $0x2FFFF;
	_ =	strace $0x9FFFFFFF  }
0xc5: {  	(tm) =	ssettm $0x7FFFFFFF  }
tec
execute0_lowered:
.L_overlay_start_1:
0x0: {  	(tag) =	ssettag $0x1  }
0x1: {  	s1 =	rddreg [dreg:$0x0]  }
0x2: {  	s0 =	rddreg [dreg:$0x1];
	s2 =	srdreg.scid  }
0x3: {  	s3 =	rddreg [dreg:$0x3];
	s17 =	stileid.u32  }
0x4: {  	s4 =	simm.s32 $0x0;
	s30 =	simm.s32 $0x100;
	s8 =	smul.u32 $0x50000, s17  }
0x5: {  	s31 =	simm.s32 $0x2;
	s2 =	sand.u32 $0x1, s2;
	s18 =	smul.u32 $0x14000, s17  }
0x6: {  	[smem:$0x7FF] =	sst s4;
	s6 =	sadd.s32 $0x15800, s0;
	s17 =	smul.u32 $0x4F0, s17  }
0x7: {  	s10 =	sadd.s32 $0x66000, s0;
	s5 =	smul.u32 $0x4F00, s2;
	s7 =	ssub.s32 $0x2, s2  }
0x8: {  	_ =	strace $0x80000047;
	s2 =	smul.u32 $0x140000, s2;
	s9 =	sshrl.u32 s7, $0x1  }
0x9: {  	s16 =	sshrl.u32 s8, $0x2;
	s12 =	sadd.s32 $0x4000, s18;
	s13 =	sadd.s32 $0x8000, s18  }
0xa: {  	s15 =	sadd.s32 $0xC000, s18;
	s8 =	sadd.s32 $0x10000, s18;
	s5 =	sadd.s32 s5, s0  }
0xb: {  	s9 =	ssub.s32 s7, s9;
	s0 =	sadd.s32 $0x16000, s0;
	s7 =	sadd.s32 s16, s3  }
0xc: {  	s11 =	sadd.s32 s2, s18;
	s21 =	sadd.s32 s2, s12;
	s22 =	sadd.s32 s2, s13  }
0xd: {  	s13 =	sadd.s32 s13, s3;
	s16 =	sadd.s32 s2, s15;
	s15 =	sadd.s32 s15, s3  }
0xe: {  	s2 =	sadd.s32 s2, s8;
	s9 =	smax.u32 s9, $0x1;
	s19 =	sshrl.u32 s11, $0x3  }
0xf: {  	s20 =	sshrl.u32 s21, $0x3;
	s11 =	sadd.s32 s12, s3;
	s24 =	sshrl.u32 s22, $0x3  }
0x10: {  	s22 =	sshrl.u32 s16, $0x3;
	s5 =	sadd.s32 s17, s5;
	s2 =	sshrl.u32 s2, $0x3  }
0x11: {  	s17 =	sadd.s32 s8, s3;
	s28 =	sadd.s32 $0xC000, s7;
	s29 =	sadd.s32 $0x10000, s7  }
0x12: {  	s8 =	simm.s32 $0x0;
	[dreg:$0x5] =	wrdreg s9;
	s9 =	sadd.s32 $0x4000, s7  }
0x13: {  	s14 =	sadd.s32 s10, s19;
	s23 =	sadd.s32 s10, s20;
	s25 =	sadd.s32 s10, s22  }
0x14: {  	s26 =	sadd.s32 s10, s2;
	s19 =	sadd.s32 s0, s19;
	[dreg:$0x6] =	wrdreg s14  }
0x15: {  	s20 =	sadd.s32 s0, s20;
	s21 =	sadd.s32 s0, s24;
	[dreg:$0x7] =	wrdreg s23  }
0x16: {  	s22 =	sadd.s32 s0, s22;
	s14 =	sadd.s32 s10, s24;
	[dreg:$0x9] =	wrdreg s25  }
0x17: {  	[dreg:$0xa] =	wrdreg s26;
	s23 =	sadd.s32 s0, s2;
	s24 =	sadd.s32 $0x1C00, s5  }
0x18: {  	s25 =	sadd.s32 $0xBA00, s5;
	s26 =	sadd.s32 $0x8000, s7;
	s0 =	simm.s32 $0x4100  }
0x19: {  	s5 =	simm.s32 $0x80;
	s2 =	simm.s32 $0x1;
	[dreg:$0x8] =	wrdreg s14  }
.LBB2_1:
0x1a: {  	[tilespmem:s30], [sflag:$0x2] =	stream.linear.gather [hbm4b:s6+s4], $0x4000, $0x38;
	[tilespmem:$0x1C100] =	vst v63  }
0x1b: {  	_ =	swait.ge [sflag:s31], $0x4000  }
0x1c: {  	[sflag:s31] =	ssyncset.done $0x0  }
0x1d: {  	[sflag:s31] =	ssyncadd.s32 $0xFFFFC000  }
0x1e: {  	[spmem:s7] =	stream.linear.scatter [tilespmem:s30], [sflag:$0x2], $0x4000, $0x38;
	[tilespmem:$0x1C100] =	vst v63  }
0x1f: {  	_ =	swait.ge [sflag:s31], $0x4000  }
0x20: {  	[sflag:s31] =	ssyncset.done $0x0  }
0x21: {  	[sflag:s31] =	ssyncadd.s32 $0xFFFFC000  }
0x22: {  	[spmem:s9] =	stream.linear.scatter [tilespmem:s30], [sflag:$0x2], $0x4000, $0x38;
	[tilespmem:$0x1C100] =	vst v63  }
0x23: {  	_ =	swait.ge [sflag:s31], $0x4000  }
0x24: {  	[sflag:s31] =	ssyncset.done $0x0  }
0x25: {  	[sflag:s31] =	ssyncadd.s32 $0xFFFFC000  }
0x26: {  	[spmem:s26] =	stream.linear.scatter [tilespmem:s30], [sflag:$0x2], $0x4000, $0x38;
	[tilespmem:$0x1C100] =	vst v63  }
0x27: {  	_ =	swait.ge [sflag:s31], $0x4000  }
0x28: {  	[sflag:s31] =	ssyncset.done $0x0  }
0x29: {  	[sflag:s31] =	ssyncadd.s32 $0xFFFFC000  }
0x2a: {  	[spmem:s28] =	stream.linear.scatter [tilespmem:s30], [sflag:$0x2], $0x4000, $0x38;
	[tilespmem:$0x1C100] =	vst v63  }
0x2b: {  	_ =	swait.ge [sflag:s31], $0x4000  }
0x2c: {  	[sflag:s31] =	ssyncset.done $0x0  }
0x2d: {  	[sflag:s31] =	ssyncadd.s32 $0xFFFFC000  }
0x2e: {  	[spmem:s29] =	stream.linear.scatter [tilespmem:s30], [sflag:$0x2], $0x4000, $0x38;
	[tilespmem:$0x1C100] =	vst v63  }
0x2f: {  	_ =	swait.ge [sflag:s31], $0x4000  }
0x30: {  	[sflag:s31] =	ssyncset.done $0x0  }
0x31: {  	[sflag:s31] =	ssyncadd.s32 $0xFFFFC000  }
0x32: {  	s10 =	rddreg [dreg:$0x2]  }
0x33: {  	[tilespmem:s0], [sflag:$0x2] =	stream.linear.gather [hbm4b:s10+s4], $0x4000, $0x38;
	[tilespmem:$0x1C100] =	vst v63  }
0x34: {  	_ =	swait.ge [sflag:s31], $0x4000  }
0x35: {  	[sflag:s31] =	ssyncset.done $0x0  }
0x36: {  	[sflag:s31] =	ssyncadd.s32 $0xFFFFC000  }
0x37: {  	s16 =	sadd.s32 $0x0, s25;
	[bflag:$0x0] =	sbarrier.arrive $0xFFFF  }
0x38: {  	[tilespmem:s4], [sflag:$0x2] =	stream.linear.gather [hbm4b:s16+s4], $0x80, $0x38;
	[tilespmem:$0x1C100] =	vst v63  }
0x39: {  	_ =	swait.ge [sflag:s31], $0x80  }
0x3a: {  	[sflag:s31] =	ssyncset.done $0x0  }
0x3b: {  	s18 =	sadd.s32 $0x0, s24;
	[sflag:s31] =	ssyncadd.s32 $0xFFFFFF80  }
0x3c: {  	[tilespmem:s5], [sflag:$0x2] =	stream.linear.gather [hbm4b:s18+s4], $0x80, $0x38;
	[tilespmem:$0x1C100] =	vst v63  }
0x3d: {  	_ =	swait.ge [sflag:s31], $0x80  }
0x3e: {  	[sflag:s31] =	ssyncset.done $0x0  }
0x3f: {  	[sflag:s31] =	ssyncadd.s32 $0xFFFFFF80  }
0x40: {  	[tilespmem:s30], [sflag:$0x1] =	stream.indirect.gather [hbm4b:s1+s5], $0x80, s4, s5, $0xb8;
	[tilespmem:$0x1C100] =	vst v63  }
0x41: {  	_ =	swait.ge [sflag:s2], $0x4000  }
0x42: {  	[sflag:s2] =	ssyncset.done $0x0  }
0x43: {  	[sflag:s2] =	ssyncadd.s32 $0xFFFFC000  }
0x44: {  	[spmem:s3] =	stream.indirect.scatter.add.f32 [tilespmem:s30], [sflag:$0x2], $0x80, s5, s5, $0xb8;
	[tilespmem:$0x1C100] =	vst v63  }
0x45: {  	_ =	swait.ge [sflag:s31], $0x4000  }
0x46: {  	s12 =	simm.s32 $0x20;
	s10 =	simm.s32 $0x10;
	[sflag:s31] =	ssyncset.done $0x0  }
.LBB2_2:
0x47: {  	s14 =	sadd.s32 s10, s25  }
0x48: {  	[sflag:s31] =	ssyncadd.s32 $0xFFFFC000;
	s16 =	smov.u32 s12;
	s18 =	sadd.s32 $0x10, s12  }
0x49: {  	[tilespmem:s4], [sflag:$0x2] =	stream.linear.gather [hbm4b:s14+s4], $0x80, $0x38;
	[tilespmem:$0x1C100] =	vst v63  }
0x4a: {  	p0 =	sne.s32 s12, $0x4E0;
	_ =	swait.ge [sflag:s31], $0x80  }
0x4b: {  	[sflag:s31] =	ssyncset.done $0x0  }
0x4c: {  	s12 =	sadd.s32 s10, s24;
	s10 =	smov.u32 s16;
	[sflag:s31] =	ssyncadd.s32 $0xFFFFFF80  }
0x4d: {  	[tilespmem:s5], [sflag:$0x2] =	stream.linear.gather [hbm4b:s12+s4], $0x80, $0x38;
	[tilespmem:$0x1C100] =	vst v63  }
0x4e: {  	_ =	swait.ge [sflag:s31], $0x80  }
0x4f: {  	[sflag:s31] =	ssyncset.done $0x0  }
0x50: {  	[sflag:s31] =	ssyncadd.s32 $0xFFFFFF80  }
0x51: {  	[tilespmem:s30], [sflag:$0x1] =	stream.indirect.gather [hbm4b:s1+s5], $0x80, s4, s5, $0xb8;
	[tilespmem:$0x1C100] =	vst v63  }
0x52: {  	_ =	swait.ge [sflag:s2], $0x4000  }
.Ltmp0:
0x53: {  	[sflag:s2] =	ssyncset.done $0x0;
	(pc) =	sbr.rel @p0 .LBB2_2-.Ltmp0, $4  }
0x54: {  	[sflag:s2] =	ssyncadd.s32 $0xFFFFC000  }
0x55: {  	[spmem:s3] =	stream.indirect.scatter.add.f32 [tilespmem:s30], [sflag:$0x2], $0x80, s5, s5, $0xb8;
	[tilespmem:$0x1C100] =	vst v63  }
0x56: {  	_ =	swait.ge [sflag:s31], $0x4000  }
0x57: {  	s12 =	smov.u32 s18;
	[sflag:s31] =	ssyncset.done $0x0  }
0x58: {  	s12 =	sadd.s32 s10, s25;
	[sflag:s31] =	ssyncadd.s32 $0xFFFFC000  }
0x59: {  	[tilespmem:s4], [sflag:$0x2] =	stream.linear.gather [hbm4b:s12+s4], $0x80, $0x38;
	[tilespmem:$0x1C100] =	vst v63  }
0x5a: {  	_ =	swait.ge [sflag:s31], $0x80  }
0x5b: {  	[sflag:s31] =	ssyncset.done $0x0  }
0x5c: {  	s12 =	sadd.s32 s10, s24;
	[sflag:s31] =	ssyncadd.s32 $0xFFFFFF80  }
0x5d: {  	[tilespmem:s5], [sflag:$0x2] =	stream.linear.gather [hbm4b:s12+s4], $0x80, $0x38;
	[tilespmem:$0x1C100] =	vst v63  }
0x5e: {  	_ =	swait.ge [sflag:s31], $0x80  }
0x5f: {  	[sflag:s31] =	ssyncset.done $0x0  }
0x60: {  	[sflag:s31] =	ssyncadd.s32 $0xFFFFFF80  }
0x61: {  	[tilespmem:s30], [sflag:$0x1] =	stream.indirect.gather [hbm4b:s1+s5], $0x80, s4, s5, $0xb8;
	[tilespmem:$0x1C100] =	vst v63  }
0x62: {  	_ =	swait.ge [sflag:s2], $0x4000  }
0x63: {  	[sflag:s2] =	ssyncset.done $0x0  }
0x64: {  	[sflag:s2] =	ssyncadd.s32 $0xFFFFC000  }
0x65: {  	[spmem:s3] =	stream.indirect.scatter.add.f32 [tilespmem:s30], [sflag:$0x2], $0x80, s5, s5, $0xb8;
	[tilespmem:$0x1C100] =	vst v63  }
0x66: {  	_ =	swait.ge [sflag:s31], $0x4000  }
0x67: {  	[sflag:s31] =	ssyncset.done $0x0  }
0x68: {  	[sflag:s31] =	ssyncadd.s32 $0xFFFFC000  }
0x69: {  	[bflag:$0x0] =	sbarrier.arrive $0xFFFF  }
0x6a: {  	[tilespmem:s30], [sflag:$0x2] =	stream.linear.gather [spmem:s7], $0x4000, $0x38;
	[tilespmem:$0x1C100] =	vst v63  }
0x6b: {  	_ =	swait.ge [sflag:s31], $0x4000  }
0x6c: {  	[sflag:s31] =	ssyncset.done $0x0  }
0x6d: {  	s10 =	simm.s32 $0x0;
	s14 =	rddreg [dreg:$0x6];
	[sflag:s31] =	ssyncadd.s32 $0xFFFFC000  }
0x6e: {  	[hbm4b:s14+s10] =	stream.linear.scatter [tilespmem:s30], [sflag:$0x2], $0x4000, $0x38;
	[tilespmem:$0x1C100] =	vst v63  }
0x6f: {  	_ =	swait.ge [sflag:s31], $0x4000  }
0x70: {  	[sflag:s31] =	ssyncset.done $0x0  }
0x71: {  	[sflag:s31] =	ssyncadd.s32 $0xFFFFC000  }
0x72: {  	[tilespmem:s30], [sflag:$0x2] =	stream.linear.gather [spmem:s11], $0x4000, $0x38;
	[tilespmem:$0x1C100] =	vst v63  }
0x73: {  	_ =	swait.ge [sflag:s31], $0x4000  }
0x74: {  	[sflag:s31] =	ssyncset.done $0x0  }
0x75: {  	s16 =	rddreg [dreg:$0x7];
	[sflag:s31] =	ssyncadd.s32 $0xFFFFC000  }
0x76: {  	[hbm4b:s16+s10] =	stream.linear.scatter [tilespmem:s30], [sflag:$0x2], $0x4000, $0x38;
	[tilespmem:$0x1C100] =	vst v63  }
0x77: {  	_ =	swait.ge [sflag:s31], $0x4000  }
0x78: {  	[sflag:s31] =	ssyncset.done $0x0  }
0x79: {  	[sflag:s31] =	ssyncadd.s32 $0xFFFFC000  }
0x7a: {  	[tilespmem:s30], [sflag:$0x2] =	stream.linear.gather [spmem:s13], $0x4000, $0x38;
	[tilespmem:$0x1C100] =	vst v63  }
0x7b: {  	_ =	swait.ge [sflag:s31], $0x4000  }
0x7c: {  	[sflag:s31] =	ssyncset.done $0x0  }
0x7d: {  	s18 =	rddreg [dreg:$0x8];
	[sflag:s31] =	ssyncadd.s32 $0xFFFFC000  }
0x7e: {  	[hbm4b:s18+s10] =	stream.linear.scatter [tilespmem:s30], [sflag:$0x2], $0x4000, $0x38;
	[tilespmem:$0x1C100] =	vst v63  }
0x7f: {  	_ =	swait.ge [sflag:s31], $0x4000  }
0x80: {  	[sflag:s31] =	ssyncset.done $0x0  }
0x81: {  	[sflag:s31] =	ssyncadd.s32 $0xFFFFC000  }
0x82: {  	[tilespmem:s30], [sflag:$0x2] =	stream.linear.gather [spmem:s15], $0x4000, $0x38;
	[tilespmem:$0x1C100] =	vst v63  }
0x83: {  	_ =	swait.ge [sflag:s31], $0x4000  }
0x84: {  	[sflag:s31] =	ssyncset.done $0x0  }
0x85: {  	s14 =	rddreg [dreg:$0x9];
	[sflag:s31] =	ssyncadd.s32 $0xFFFFC000  }
0x86: {  	[hbm4b:s14+s10] =	stream.linear.scatter [tilespmem:s30], [sflag:$0x2], $0x4000, $0x38;
	[tilespmem:$0x1C100] =	vst v63  }
0x87: {  	_ =	swait.ge [sflag:s31], $0x4000  }
0x88: {  	[sflag:s31] =	ssyncset.done $0x0  }
0x89: {  	[sflag:s31] =	ssyncadd.s32 $0xFFFFC000  }
0x8a: {  	[tilespmem:s30], [sflag:$0x2] =	stream.linear.gather [spmem:s17], $0x4000, $0x38;
	[tilespmem:$0x1C100] =	vst v63  }
0x8b: {  	_ =	swait.ge [sflag:s31], $0x4000  }
0x8c: {  	[sflag:s31] =	ssyncset.done $0x0  }
0x8d: {  	s16 =	rddreg [dreg:$0xa];
	[sflag:s31] =	ssyncadd.s32 $0xFFFFC000  }
0x8e: {  	[hbm4b:s16+s10] =	stream.linear.scatter [tilespmem:s30], [sflag:$0x2], $0x4000, $0x38;
	[tilespmem:$0x1C100] =	vst v63  }
0x8f: {  	_ =	swait.ge [sflag:s31], $0x4000  }
0x90: {  	[sflag:s31] =	ssyncset.done $0x0  }
0x91: {  	[sflag:s31] =	ssyncadd.s32 $0xFFFFC000  }
0x92: {  	[bflag:$0x0] =	sbarrier.arrive $0xFFFF  }
0x93: {  	[tilespmem:s30], [sflag:$0x2] =	stream.linear.gather [hbm4b:s6+s10], $0x4000, $0x38;
	[tilespmem:$0x1C100] =	vst v63  }
0x94: {  	_ =	swait.ge [sflag:s31], $0x4000  }
0x95: {  	[sflag:s31] =	ssyncset.done $0x0  }
0x96: {  	[sflag:s31] =	ssyncadd.s32 $0xFFFFC000  }
0x97: {  	[spmem:s7] =	stream.linear.scatter [tilespmem:s30], [sflag:$0x2], $0x4000, $0x38;
	[tilespmem:$0x1C100] =	vst v63  }
0x98: {  	_ =	swait.ge [sflag:s31], $0x4000  }
0x99: {  	[sflag:s31] =	ssyncset.done $0x0  }
0x9a: {  	[sflag:s31] =	ssyncadd.s32 $0xFFFFC000  }
0x9b: {  	[spmem:s9] =	stream.linear.scatter [tilespmem:s30], [sflag:$0x2], $0x4000, $0x38;
	[tilespmem:$0x1C100] =	vst v63  }
0x9c: {  	_ =	swait.ge [sflag:s31], $0x4000  }
0x9d: {  	[sflag:s31] =	ssyncset.done $0x0  }
0x9e: {  	[sflag:s31] =	ssyncadd.s32 $0xFFFFC000  }
0x9f: {  	[spmem:s26] =	stream.linear.scatter [tilespmem:s30], [sflag:$0x2], $0x4000, $0x38;
	[tilespmem:$0x1C100] =	vst v63  }
0xa0: {  	_ =	swait.ge [sflag:s31], $0x4000  }
0xa1: {  	[sflag:s31] =	ssyncset.done $0x0  }
0xa2: {  	[sflag:s31] =	ssyncadd.s32 $0xFFFFC000  }
0xa3: {  	[spmem:s28] =	stream.linear.scatter [tilespmem:s30], [sflag:$0x2], $0x4000, $0x38;
	[tilespmem:$0x1C100] =	vst v63  }
0xa4: {  	_ =	swait.ge [sflag:s31], $0x4000  }
0xa5: {  	[sflag:s31] =	ssyncset.done $0x0  }
0xa6: {  	[sflag:s31] =	ssyncadd.s32 $0xFFFFC000  }
0xa7: {  	[spmem:s29] =	stream.linear.scatter [tilespmem:s30], [sflag:$0x2], $0x4000, $0x38;
	[tilespmem:$0x1C100] =	vst v63  }
0xa8: {  	_ =	swait.ge [sflag:s31], $0x4000  }
0xa9: {  	[sflag:s31] =	ssyncset.done $0x0  }
0xaa: {  	[sflag:s31] =	ssyncadd.s32 $0xFFFFC000  }
0xab: {  	s18 =	sadd.s32 $0x0, s24;
	[bflag:$0x0] =	sbarrier.arrive $0xFFFF  }
0xac: {  	[tilespmem:s5], [sflag:$0x2] =	stream.linear.gather [hbm4b:s18+s4], $0x80, $0x38;
	[tilespmem:$0x1C100] =	vst v63  }
0xad: {  	_ =	swait.ge [sflag:s31], $0x80  }
0xae: {  	[sflag:s31] =	ssyncset.done $0x0  }
0xaf: {  	[sflag:s31] =	ssyncadd.s32 $0xFFFFFF80  }
0xb0: {  	[spmem:s3] =	stream.indirect.scatter.add.f32 [tilespmem:s0], [sflag:$0x2], $0x80, s5, s5, $0xb8;
	[tilespmem:$0x1C100] =	vst v63  }
0xb1: {  	_ =	swait.ge [sflag:s31], $0x4000  }
0xb2: {  	s12 =	simm.s32 $0x20;
	s10 =	simm.s32 $0x10;
	[sflag:s31] =	ssyncset.done $0x0  }
.LBB2_4:
0xb3: {  	s14 =	sadd.s32 s10, s24  }
0xb4: {  	[sflag:s31] =	ssyncadd.s32 $0xFFFFC000;
	s10 =	smov.u32 s12;
	s16 =	sadd.s32 $0x10, s12  }
0xb5: {  	[tilespmem:s5], [sflag:$0x2] =	stream.linear.gather [hbm4b:s14+s4], $0x80, $0x38;
	[tilespmem:$0x1C100] =	vst v63  }
0xb6: {  	p0 =	sne.s32 s12, $0x4E0;
	_ =	swait.ge [sflag:s31], $0x80  }
.Ltmp1:
0xb7: {  	[sflag:s31] =	ssyncset.done $0x0;
	(pc) =	sbr.rel @p0 .LBB2_4-.Ltmp1, $4  }
0xb8: {  	[sflag:s31] =	ssyncadd.s32 $0xFFFFFF80  }
0xb9: {  	[spmem:s3] =	stream.indirect.scatter.add.f32 [tilespmem:s0], [sflag:$0x2], $0x80, s5, s5, $0xb8;
	[tilespmem:$0x1C100] =	vst v63  }
0xba: {  	_ =	swait.ge [sflag:s31], $0x4000  }
0xbb: {  	s12 =	smov.u32 s16;
	[sflag:s31] =	ssyncset.done $0x0  }
0xbc: {  	s10 =	sadd.s32 s10, s24;
	[sflag:s31] =	ssyncadd.s32 $0xFFFFC000  }
0xbd: {  	[tilespmem:s5], [sflag:$0x2] =	stream.linear.gather [hbm4b:s10+s4], $0x80, $0x38;
	[tilespmem:$0x1C100] =	vst v63  }
0xbe: {  	_ =	swait.ge [sflag:s31], $0x80  }
0xbf: {  	[sflag:s31] =	ssyncset.done $0x0  }
0xc0: {  	[sflag:s31] =	ssyncadd.s32 $0xFFFFFF80  }
0xc1: {  	[spmem:s3] =	stream.indirect.scatter.add.f32 [tilespmem:s0], [sflag:$0x2], $0x80, s5, s5, $0xb8;
	[tilespmem:$0x1C100] =	vst v63  }
0xc2: {  	_ =	swait.ge [sflag:s31], $0x4000  }
0xc3: {  	[sflag:s31] =	ssyncset.done $0x0  }
0xc4: {  	[sflag:s31] =	ssyncadd.s32 $0xFFFFC000  }
0xc5: {  	[bflag:$0x0] =	sbarrier.arrive $0xFFFF  }
0xc6: {  	[tilespmem:s30], [sflag:$0x2] =	stream.linear.gather [spmem:s7], $0x4000, $0x38;
	[tilespmem:$0x1C100] =	vst v63  }
0xc7: {  	_ =	swait.ge [sflag:s31], $0x4000  }
0xc8: {  	[sflag:s31] =	ssyncset.done $0x0  }
0xc9: {  	[sflag:s31] =	ssyncadd.s32 $0xFFFFC000  }
0xca: {  	[hbm4b:s19+s4] =	stream.linear.scatter [tilespmem:s30], [sflag:$0x2], $0x4000, $0x38;
	[tilespmem:$0x1C100] =	vst v63  }
0xcb: {  	_ =	swait.ge [sflag:s31], $0x4000  }
0xcc: {  	[sflag:s31] =	ssyncset.done $0x0  }
0xcd: {  	[sflag:s31] =	ssyncadd.s32 $0xFFFFC000  }
0xce: {  	[tilespmem:s30], [sflag:$0x2] =	stream.linear.gather [spmem:s11], $0x4000, $0x38;
	[tilespmem:$0x1C100] =	vst v63  }
0xcf: {  	_ =	swait.ge [sflag:s31], $0x4000  }
0xd0: {  	[sflag:s31] =	ssyncset.done $0x0  }
0xd1: {  	[sflag:s31] =	ssyncadd.s32 $0xFFFFC000  }
0xd2: {  	[hbm4b:s20+s4] =	stream.linear.scatter [tilespmem:s30], [sflag:$0x2], $0x4000, $0x38;
	[tilespmem:$0x1C100] =	vst v63  }
0xd3: {  	_ =	swait.ge [sflag:s31], $0x4000  }
0xd4: {  	[sflag:s31] =	ssyncset.done $0x0  }
0xd5: {  	[sflag:s31] =	ssyncadd.s32 $0xFFFFC000  }
0xd6: {  	[tilespmem:s30], [sflag:$0x2] =	stream.linear.gather [spmem:s13], $0x4000, $0x38;
	[tilespmem:$0x1C100] =	vst v63  }
0xd7: {  	_ =	swait.ge [sflag:s31], $0x4000  }
0xd8: {  	[sflag:s31] =	ssyncset.done $0x0  }
0xd9: {  	[sflag:s31] =	ssyncadd.s32 $0xFFFFC000  }
0xda: {  	[hbm4b:s21+s4] =	stream.linear.scatter [tilespmem:s30], [sflag:$0x2], $0x4000, $0x38;
	[tilespmem:$0x1C100] =	vst v63  }
0xdb: {  	_ =	swait.ge [sflag:s31], $0x4000  }
0xdc: {  	[sflag:s31] =	ssyncset.done $0x0  }
0xdd: {  	[sflag:s31] =	ssyncadd.s32 $0xFFFFC000  }
0xde: {  	[tilespmem:s30], [sflag:$0x2] =	stream.linear.gather [spmem:s15], $0x4000, $0x38;
	[tilespmem:$0x1C100] =	vst v63  }
0xdf: {  	_ =	swait.ge [sflag:s31], $0x4000  }
0xe0: {  	[sflag:s31] =	ssyncset.done $0x0  }
0xe1: {  	[sflag:s31] =	ssyncadd.s32 $0xFFFFC000  }
0xe2: {  	[hbm4b:s22+s4] =	stream.linear.scatter [tilespmem:s30], [sflag:$0x2], $0x4000, $0x38;
	[tilespmem:$0x1C100] =	vst v63  }
0xe3: {  	_ =	swait.ge [sflag:s31], $0x4000  }
0xe4: {  	[sflag:s31] =	ssyncset.done $0x0  }
0xe5: {  	[sflag:s31] =	ssyncadd.s32 $0xFFFFC000  }
0xe6: {  	[tilespmem:s30], [sflag:$0x2] =	stream.linear.gather [spmem:s17], $0x4000, $0x38;
	[tilespmem:$0x1C100] =	vst v63  }
0xe7: {  	_ =	swait.ge [sflag:s31], $0x4000  }
0xe8: {  	[sflag:s31] =	ssyncset.done $0x0  }
0xe9: {  	[sflag:s31] =	ssyncadd.s32 $0xFFFFC000  }
0xea: {  	[hbm4b:s23+s4] =	stream.linear.scatter [tilespmem:s30], [sflag:$0x2], $0x4000, $0x38;
	[tilespmem:$0x1C100] =	vst v63  }
0xeb: {  	_ =	swait.ge [sflag:s31], $0x4000  }
0xec: {  	s8 =	sadd.s32 $0x1, s8;
	s18 =	rddreg [dreg:$0x5]  }
0xed: {  	p0 =	sne.s32 s8, s18  }
.Ltmp2:
0xee: {  	_ = 	snop;
	(pc) =	sbr.rel @p0 .LBB2_1-.Ltmp2, $3  }
0xef: {  	_ =	sdelay $0x1  }
0xf0: {  	[sflag:s31] =	ssyncset.done $0x0  }
0xf1: {  	[sflag:s31] =	ssyncadd.s32 $0xFFFFC000  }
0xf2: {  	_ =	sfence.sel $0x180000  }
0xf3: {  	[bflag:$0x0] =	sbarrier.arrive $0xFFFF  }
0xf4: {  	_ =	strace $0x90000047  }
0xf5: {  	s0 =	stileid.u32;
	[bflag:$0x2] =	sbarrier.arrive $0xFFFF  }
0xf6: {  	p0 =	sne.s32 s0, $0x0;
	s0 =	rddreg [dreg:$0x4]  }
0xf7: {  	s0 =	sadd.s32 @!p0 $0x100000, s0  }
0xf8: {  	[sflag:s0] =	ssyncadd.tile.s32 @!p0 $0x1;
	_ =	shalt  }
.Lfunc_end2:
_tile_overlayer_lowered:
.L_overlay_start_2:
0xf9: {  	(tag) =	ssettag $0x2  }
0xfa: {  	s0 =	rddreg [dreg:$0x0];
	s2 =	stileid.u32  }
0xfb: {  	s1 =	rddreg [dreg:$0x1];
	p0 =	sne.s32 s2, $0x0  }
0xfc: {  	s3 =	rddreg [dreg:$0x2];
	[bflag:$0x3] =	sbarrier.arrive $0xFFFF;
	s2 =	simm.s32 @!p0 $0x1C02  }
0xfd: {  	[timem:s3], [sflag:s2] =	dma.local @!p0 [hbm:s0], s1  }
0xfe: {  	s0 =	simm.s32 @!p0 $0x2  }
0xff: {  	_ =	swait.ge @!p0 [sflag:s0], s1  }
0x100: {  	s1 =	ssub.s32 @!p0 $0x0, s1;
	[sflag:s0] =	ssyncset.done @!p0 $0x0  }
0x101: {  	[sflag:s0] =	ssyncadd.s32 @!p0 s1  }
0x102: {  	[bflag:$0x3] =	sbarrier.arrive $0xFFFF  }
0x103: {  	_ =	shalt  }

// kernel: kernel.9.cloned.1.call-start
scs
__scs_entry_jumppad:
0x0: {  	(pc) =	sbr.rel $0x88, $3  }
0x1: {  	(tag) =	ssettag $0x0;
	lr =	simm.s32 $0x1  }
0x2: {  	[smem:$0x3F9B] =	sst lr;
	_ =	strace $0xD0000000  }
0x3: {  	_ = 	snop  }
0x4: {  	_ = 	snop  }
0x5: {  	_ = 	snop  }
0x6: {  	_ = 	snop  }
0x7: {  	_ = 	snop  }
__scs_overlays_trampoline_lowered:
0x8: {  	[smem:$0x3FAA] =	sst s0  }
0x9: {  	[smem:$0x3FAB] =	sst s1  }
0xa: {  	[smem:$0x3FAC] =	sst s2  }
0xb: {  	[smem:$0x3FAD] =	sst s3  }
0xc: {  	[smem:$0x3FAE] =	sst s4  }
0xd: {  	[smem:$0x3FAF] =	sst s5  }
0xe: {  	[smem:$0x3FB0] =	sst s6  }
0xf: {  	[smem:$0x3FB1] =	sst s7  }
0x10: {  	[smem:$0x3FB2] =	sst s8  }
0x11: {  	[smem:$0x3FB3] =	sst s9;
	s0 =	simm.s32 @!p0 $0x0  }
0x12: {  	s1 =	sld [smem:$0x3F99];
	s0 =	simm.s32 @p0 $0x1  }
0x13: {  	[smem:$0x3FB4] =	sst s0;
	s0 =	simm.s32 @!p1 $0x0  }
0x14: {  	s2 =	sld [smem:$0x3F98];
	s0 =	simm.s32 @p1 $0x1  }
0x15: {  	[smem:$0x3FB5] =	sst s0;
	s0 =	simm.s32 @!p2 $0x0  }
0x16: {  	s3 =	sld [smem:$0x3FDB];
	s0 =	simm.s32 @p2 $0x1  }
0x17: {  	s4 =	simm.s32 $0x1BF5;
	[smem:$0x3FB7] =	sst s0  }
0x18: {  	s0 =	sld [smem:$0x3F9A];
	_ =	swait.ge [sflag:s4], $0x0  }
0x19: {  	s7 =	sld [smem:$0x3F9B]  }
0x1a: {  	s8 =	sadd.s32 $0xFFFFE003, lr  }
0x1b: {  	s9 =	sadd.s32 $0xFFFFFEF7, lr;
	s5 =	simm.s32 $0xFFFFFFFF;
	p2 =	slt.u32 s8, $0xFFFFF086  }
0x1c: {  	p1 =	slt.u32 s9, $0xF7A;
	s5 =	simm.s32 @!p2 $0x0  }
0x1d: {  	s5 =	simm.s32 @p1 $0x1;
	p0 =	seq.s32 s7, s2  }
0x1e: {  	s7 =	smul.u32 @!p0 $0xF7A, s2;
	p2 =	seq.s32 @!p0 s5, $0x0  }
0x1f: {  	s9 =	smul.u32 $0xF7A, s1;
	s8 =	simm.s32 @!p0 $0x1BF5;
	p2 =	por !p2, p0  }
0x20: {  	[sflag:s8] =	ssyncset.s32 @!p0 $0xFFFFF086;
	s6 =	sadd.s32 @!p0 s3, s7;
	s7 =	simm.s32 @!p0 $0x108  }
0x21: {  	s3 =	sadd.s32 s3, s9;
	s6 =	sadd.s32 @!p0 $0x88, s6;
	s7 =	simm.s32 @p2 $0x1082  }
0x22: {  	[simem:s7], [sflag:s8] =	dma.local @!p0 [hbm:s6], $0xF7A  }
0x23: {  	s9 =	sor.u32 $0xD0000000, s2;
	s6 =	simm.s32 $0x108;
	_ =	swait.ge @!p0 [sflag:s8], $0x0  }
0x24: {  	s3 =	sadd.s32 $0x88, s3;
	s6 =	simm.s32 @!p1 $0x1082;
	[sflag:s4] =	ssyncset.s32 $0xFFFFF086  }
0x25: {  	[simem:s6], [sflag:s4] =	dma.local [hbm:s3], $0xF7A  }
0x26: {  	[smem:$0x3F9B] =	sst s1;
	(tag) =	ssettag s2;
	_ =	strace s9  }
0x27: {  	s1 =	sld [smem:$0x3FAB]  }
0x28: {  	s2 =	sld [smem:$0x3FAC]  }
0x29: {  	s4 =	sld [smem:$0x3FAE]  }
0x2a: {  	p0 =	seq.s32 s5, $0x0;
	s5 =	sld [smem:$0x3FAF]  }
0x2b: {  	s6 =	sld [smem:$0x3FB0]  }
0x2c: {  	s7 =	sld [smem:$0x3FB1]  }
0x2d: {  	s3 =	simm.s32 $0x108;
	s8 =	sld [smem:$0x3FB2]  }
0x2e: {  	s3 =	simm.s32 @!p0 $0x1082;
	s9 =	sld [smem:$0x3FB3]  }
0x2f: {  	lr =	sadd.s32 s0, s3;
	s0 =	sld [smem:$0x3FAA]  }
0x30: {  	s3 =	sld [smem:$0x3FAD]  }
0x31: {  	[smem:$0x3FB6] =	sst s10  }
0x32: {  	s10 =	sld [smem:$0x3FB4];
	_ =	sdelay $0x3  }
0x33: {  	p0 =	seq.s32 s10, $0x1;
	s10 =	sld [smem:$0x3FB6];
	_ =	sdelay $0x3  }
0x34: {  	[smem:$0x3FB6] =	sst s10  }
0x35: {  	s10 =	sld [smem:$0x3FB5];
	_ =	sdelay $0x3  }
0x36: {  	p1 =	seq.s32 s10, $0x1;
	s10 =	sld [smem:$0x3FB6];
	_ =	sdelay $0x3  }
0x37: {  	[smem:$0x3FB6] =	sst s10  }
0x38: {  	s10 =	sld [smem:$0x3FB7]  }
0x39: {  	_ = 	snop;
	(pc) =	sbr.ind lr, $3  }
0x3a: {  	_ = 	snop  }
0x3b: {  	_ = 	snop  }
0x3c: {  	p2 =	seq.s32 s10, $0x1;
	s10 =	sld [smem:$0x3FB6]  }
0x3d: {  	_ =	shalt  }
0x3e: {  	_ =	shalt  }
0x3f: {  	_ =	shalt  }
0x40: {  	_ =	shalt  }
0x41: {  	_ =	shalt  }
0x42: {  	_ =	shalt  }
0x43: {  	_ =	shalt  }
0x44: {  	_ =	shalt  }
0x45: {  	_ =	shalt  }
0x46: {  	_ =	shalt  }
0x47: {  	_ =	shalt  }
0x48: {  	_ =	shalt  }
0x49: {  	_ =	shalt  }
0x4a: {  	_ =	shalt  }
0x4b: {  	_ =	shalt  }
0x4c: {  	_ =	shalt  }
0x4d: {  	_ =	shalt  }
0x4e: {  	_ =	shalt  }
0x4f: {  	_ =	shalt  }
0x50: {  	_ =	shalt  }
0x51: {  	_ =	shalt  }
0x52: {  	_ =	shalt  }
0x53: {  	_ =	shalt  }
0x54: {  	_ =	shalt  }
0x55: {  	_ =	shalt  }
0x56: {  	_ =	shalt  }
0x57: {  	_ =	shalt  }
0x58: {  	_ =	shalt  }
0x59: {  	_ =	shalt  }
0x5a: {  	_ =	shalt  }
0x5b: {  	_ =	shalt  }
0x5c: {  	_ =	shalt  }
0x5d: {  	_ =	shalt  }
0x5e: {  	_ =	shalt  }
0x5f: {  	_ =	shalt  }
0x60: {  	_ =	shalt  }
0x61: {  	_ =	shalt  }
0x62: {  	_ =	shalt  }
0x63: {  	_ =	shalt  }
0x64: {  	_ =	shalt  }
0x65: {  	_ =	shalt  }
0x66: {  	_ =	shalt  }
0x67: {  	_ =	shalt  }
0x68: {  	_ =	shalt  }
0x69: {  	_ =	shalt  }
0x6a: {  	_ =	shalt  }
0x6b: {  	_ =	shalt  }
0x6c: {  	_ =	shalt  }
0x6d: {  	_ =	shalt  }
0x6e: {  	_ =	shalt  }
0x6f: {  	_ =	shalt  }
0x70: {  	_ =	shalt  }
0x71: {  	_ =	shalt  }
0x72: {  	_ =	shalt  }
0x73: {  	_ =	shalt  }
0x74: {  	_ =	shalt  }
0x75: {  	_ =	shalt  }
0x76: {  	_ =	shalt  }
0x77: {  	_ =	shalt  }
0x78: {  	_ =	shalt  }
0x79: {  	_ =	shalt  }
0x7a: {  	_ =	shalt  }
0x7b: {  	_ =	shalt  }
0x7c: {  	_ =	shalt  }
0x7d: {  	_ =	shalt  }
0x7e: {  	_ =	shalt  }
0x7f: {  	_ =	shalt  }
0x80: {  	_ =	shalt  }
0x81: {  	_ =	shalt  }
0x82: {  	_ =	shalt  }
0x83: {  	_ =	shalt  }
0x84: {  	_ =	shalt  }
0x85: {  	_ =	shalt  }
0x86: {  	_ =	shalt  }
0x87: {  	_ =	shalt  }
.Lfunc_end0:
.L_simem_size_0:
called_computation.1_lowered:
.L_overlay_start_0:
0x88: {  	s2 =	sld [smem:$0x3FD9]  }
0x89: {  	s3 =	sld [smem:$0x3FFE];
	_ =	sdelay $0x1  }
0x8a: {  	s1 =	srdreg.scid  }
0x8b: {  	s0 =	sand.u32 $0x1, s1  }
0x8c: {  	s17 =	sshll.u32 s0, $0xA;
	s2 =	sadd.s32 s3, s2  }
0x8d: {  	s2 =	sadd.s32 s2, s17  }
0x8e: {  	[smem:$0x3FC2] =	sst s2  }
0x8f: {  	_ = 	snop  }
0x90: {  	s2 =	sld [smem:$0x3FD0];
	(tm) =	ssettm $0x1  }
0x91: {  	s18 =	sld [smem:$0x3FFB];
	_ =	sdelay $0x3  }
0x92: {  	_ =	strace s18  }
0x93: {  	s3 =	sld [smem:$0x3FFC];
	_ =	sdelay $0x3  }
0x94: {  	_ =	strace s3  }
0x95: {  	s3 =	sld [smem:$0x3FFD];
	_ =	sdelay $0x3  }
0x96: {  	_ =	strace s3  }
0x97: {  	_ =	strace $0x8FFFFFFF  }
0x98: {  	s19 =	sld [smem:$0x3FDB];
	_ =	sdelay $0x1  }
0x99: {  	s4 =	simm.s32 $_scs_section_size  }
0x9a: {  	s5 =	simm.s32 $_size__tile_overlayer_lowered;
	s6 =	simm.s32 $_tile_overlayer_lowered  }
0x9b: {  	s22 =	simm.s32 $0x1BFF;
	s21 =	sshll.u32 s6, $0x1;
	s3 =	sadd.s32 s4, s19  }
0x9c: {  	s7 =	simm.s32 $0x0;
	s20 =	sshll.u32 s5, $0x1;
	s5 =	sadd.s32 s21, s3  }
0x9d: {  	[timem:s7], [sflag:s22] =	dma.local [hbm:s5], s20  }
0x9e: {  	_ =	swait.ge [sflag:s22], s20  }
0x9f: {  	s4 =	ssub.s32 $0x0, s20;
	[sflag:s22] =	ssyncset.done $0x0  }
0xa0: {  	[sflag:s22] =	ssyncadd.s32 s4;
	_ =	sdelay $0x1  }
0xa1: {  	s23 =	simm.s32 $0x1B8B  }
0xa2: {  	_ =	swait.ge [sflag:s23], $0x1  }
0xa3: {  	[sflag:s23] =	ssyncset.done $0x0  }
0xa4: {  	s25 =	simm.s32 $0x1B8E;
	s24 =	sld [smem:$0x3FFE];
	[sflag:s23] =	ssyncadd.s32 $0xFFFFFFFF  }
0xa5: {  	s26 =	simm.s32 $execute0_lowered;
	[smem:$0x3FD2] =	sst s25  }
0xa6: {  	s5 =	sshll.u32 s26, $0x1;
	_ =	strace $0x80000049;
	[dreg:$0x1] =	wrdreg $0xFFFFFFFF  }
0xa7: {  	s28 =	simm.s32 $_size_execute0_lowered;
	s3 =	sadd.s32 s3, s5;
	[dreg:$0x0] =	wrdreg $0x0  }
0xa8: {  	s5 =	sshll.u32 s28, $0x1;
	[dreg:$0x2] =	wrdreg s3  }
0xa9: {  	[dreg:$0x3] =	wrdreg s5  }
0xaa: {  	[dreg:$0x4] =	wrdreg $0xC0  }
0xab: {  	_ =	task [dreg:s7], $0x5FFFF  }
0xac: {  	[dreg:$0x1] =	wrdreg $0xFFFFFFFF  }
0xad: {  	[dreg:$0x0] =	wrdreg $0x60  }
0xae: {  	[dreg:$0x2] =	wrdreg s2  }
0xaf: {  	[dreg:$0x3] =	wrdreg s24  }
0xb0: {  	[dreg:$0x4] =	wrdreg $0x41000  }
0xb1: {  	[dreg:$0x5] =	wrdreg $0x9  }
0xb2: {  	_ =	task.clear_ibuf [dreg:s7], $0x6FFFF;
	_ =	strace $0x90000049  }
0xb3: {  	s29 =	simm.s32 $0x9;
	_ =	strace $0x8000004B  }
0xb4: {  	_ =	swait.ge [sflag:s29], $0x1  }
0xb5: {  	[sflag:s29] =	ssyncadd.s32 $0xFFFFFFFF  }
0xb6: {  	_ =	strace $0x9000004B  }
0xb7: {  	_ =	sfence  }
0xb8: {  	s30 =	sld [smem:$0x0];
	_ =	sdelay $0x2  }
0xb9: {  	s31 =	sshll.u32 s1, $0xD;
	s1 =	sshrl.u32 s1, $0x2  }
0xba: {  	s3 =	sand.u32 $0x4000, s31;
	s1 =	sadd.s32 s1, s30  }
0xbb: {  	s0 =	sor.u32 s3, s0;
	s1 =	sshll.u32 s1, $0x11  }
0xbc: {  	s0 =	sor.u32 s1, s0  }
0xbd: {  	s0 =	sadd.s32 $0x8F2B, s0  }
0xbe: {  	[sflag:s0] =	ssyncadd.remote.s32 $0x1  }
0xbf: {  	_ =	sfence.sel $0xFFFF  }
0xc0: {  	[dreg:$0x0] =	wrdreg $0xFFFFFFFF;
	(pc) =	sbr.abs _section_cstart, $3  }
0xc1: {  	[dreg:$0x1] =	wrdreg $0xFFFFFFFF  }
0xc2: {  	_ =	task.clear_ibuf [dreg:s7], $0x2FFFF;
	_ =	strace $0x9FFFFFFF  }
0xc3: {  	(tm) =	ssettm $0x7FFFFFFF  }
tec
execute0_lowered:
.L_overlay_start_1:
0x0: {  	(tag) =	ssettag $0x1  }
0x1: {  	s1 =	rddreg [dreg:$0x0]  }
0x2: {  	s6 =	rddreg [dreg:$0x1]  }
0x3: {  	s2 =	rddreg [dreg:$0x2];
	s0 =	stileid.u32  }
0x4: {  	s4 =	srdreg.scid;
	s3 =	simm.s32 $0x0;
	s9 =	smul.u32 $0x50000, s0  }
0x5: {  	s28 =	simm.s32 $0x0;
	s7 =	sand.u32 $0x1, s4;
	s17 =	smul.u32 $0x14000, s0  }
0x6: {  	[smem:$0x7FF] =	sst s3;
	s20 =	sadd.s32 $0x16000, s6;
	s5 =	smul.u32 $0x4F00, s7  }
0x7: {  	_ =	strace $0x8000004A;
	s8 =	ssub.s32 $0x2, s7;
	s18 =	smul.u32 $0x140000, s7  }
0x8: {  	s24 =	sshrl.u32 s8, $0x1;
	s25 =	sshrl.u32 s9, $0x2;
	s13 =	sadd.s32 $0x4000, s17  }
0x9: {  	s15 =	sadd.s32 $0x8000, s17;
	s21 =	sadd.s32 $0xC000, s17;
	s23 =	sadd.s32 $0x10000, s17  }
0xa: {  	s19 =	sadd.s32 s5, s6;
	s5 =	sadd.s32 $0x15800, s6;
	s8 =	ssub.s32 s8, s24  }
0xb: {  	s6 =	sadd.s32 s25, s2;
	s12 =	sadd.s32 s18, s17;
	s14 =	sadd.s32 s18, s13  }
0xc: {  	s16 =	sadd.s32 s18, s15;
	s13 =	sadd.s32 s13, s2;
	s15 =	sadd.s32 s15, s2  }
0xd: {  	s22 =	sadd.s32 s18, s21;
	s24 =	smul.u32 $0x4F0, s0;
	s17 =	sadd.s32 s21, s2  }
0xe: {  	s29 =	sadd.s32 s18, s23;
	s25 =	simm.s32 $0x80;
	s7 =	smax.u32 s8, $0x1  }
0xf: {  	s8 =	sadd.s32 $0x4000, s6;
	s9 =	sadd.s32 $0x8000, s6;
	s10 =	sadd.s32 $0xC000, s6  }
0x10: {  	s11 =	sadd.s32 $0x10000, s6;
	s12 =	sshrl.u32 s12, $0x3;
	s14 =	sshrl.u32 s14, $0x3  }
0x11: {  	s16 =	sshrl.u32 s16, $0x3;
	s26 =	sshrl.u32 s22, $0x3;
	s30 =	sshrl.u32 s29, $0x3  }
0x12: {  	s12 =	sadd.s32 s20, s12;
	s14 =	sadd.s32 s20, s14;
	s16 =	sadd.s32 s20, s16  }
0x13: {  	s18 =	sadd.s32 s20, s26;
	s31 =	sadd.s32 s24, s19;
	s19 =	sadd.s32 s23, s2  }
0x14: {  	s20 =	sadd.s32 s20, s30;
	s23 =	simm.s32 $0x100;
	s24 =	simm.s32 $0x2  }
0x15: {  	s26 =	simm.s32 $0x1;
	s21 =	sadd.s32 $0x1C00, s31;
	s22 =	sadd.s32 $0xBA00, s31  }
.LBB2_1:
0x16: {  	[tilespmem:s23], [sflag:$0x2] =	stream.linear.gather [hbm4b:s5+s3], $0x4000, $0x38;
	[tilespmem:$0x18100] =	vst v63  }
0x17: {  	_ =	swait.ge [sflag:s24], $0x4000  }
0x18: {  	[sflag:s24] =	ssyncset.done $0x0  }
0x19: {  	[sflag:s24] =	ssyncadd.s32 $0xFFFFC000  }
0x1a: {  	[spmem:s6] =	stream.linear.scatter [tilespmem:s23], [sflag:$0x2], $0x4000, $0x38;
	[tilespmem:$0x18100] =	vst v63  }
0x1b: {  	_ =	swait.ge [sflag:s24], $0x4000  }
0x1c: {  	[sflag:s24] =	ssyncset.done $0x0  }
0x1d: {  	[sflag:s24] =	ssyncadd.s32 $0xFFFFC000  }
0x1e: {  	[spmem:s8] =	stream.linear.scatter [tilespmem:s23], [sflag:$0x2], $0x4000, $0x38;
	[tilespmem:$0x18100] =	vst v63  }
0x1f: {  	_ =	swait.ge [sflag:s24], $0x4000  }
0x20: {  	[sflag:s24] =	ssyncset.done $0x0  }
0x21: {  	[sflag:s24] =	ssyncadd.s32 $0xFFFFC000  }
0x22: {  	[spmem:s9] =	stream.linear.scatter [tilespmem:s23], [sflag:$0x2], $0x4000, $0x38;
	[tilespmem:$0x18100] =	vst v63  }
0x23: {  	_ =	swait.ge [sflag:s24], $0x4000  }
0x24: {  	[sflag:s24] =	ssyncset.done $0x0  }
0x25: {  	[sflag:s24] =	ssyncadd.s32 $0xFFFFC000  }
0x26: {  	[spmem:s10] =	stream.linear.scatter [tilespmem:s23], [sflag:$0x2], $0x4000, $0x38;
	[tilespmem:$0x18100] =	vst v63  }
0x27: {  	_ =	swait.ge [sflag:s24], $0x4000  }
0x28: {  	[sflag:s24] =	ssyncset.done $0x0  }
0x29: {  	[sflag:s24] =	ssyncadd.s32 $0xFFFFC000  }
0x2a: {  	[spmem:s11] =	stream.linear.scatter [tilespmem:s23], [sflag:$0x2], $0x4000, $0x38;
	[tilespmem:$0x18100] =	vst v63  }
0x2b: {  	_ =	swait.ge [sflag:s24], $0x4000  }
0x2c: {  	[sflag:s24] =	ssyncset.done $0x0  }
0x2d: {  	[sflag:s24] =	ssyncadd.s32 $0xFFFFC000  }
0x2e: {  	s29 =	sadd.s32 $0x0, s22;
	[bflag:$0x0] =	sbarrier.arrive $0xFFFF  }
0x2f: {  	[tilespmem:s3], [sflag:$0x2] =	stream.linear.gather [hbm4b:s29+s3], $0x80, $0x38;
	[tilespmem:$0x18100] =	vst v63  }
0x30: {  	_ =	swait.ge [sflag:s24], $0x80  }
0x31: {  	[sflag:s24] =	ssyncset.done $0x0  }
0x32: {  	s29 =	sadd.s32 $0x0, s21;
	[sflag:s24] =	ssyncadd.s32 $0xFFFFFF80  }
0x33: {  	[tilespmem:s25], [sflag:$0x2] =	stream.linear.gather [hbm4b:s29+s3], $0x80, $0x38;
	[tilespmem:$0x18100] =	vst v63  }
0x34: {  	_ =	swait.ge [sflag:s24], $0x80  }
0x35: {  	[sflag:s24] =	ssyncset.done $0x0  }
0x36: {  	[sflag:s24] =	ssyncadd.s32 $0xFFFFFF80  }
0x37: {  	[tilespmem:s23], [sflag:$0x1] =	stream.indirect.gather [hbm4b:s1+s25], $0x80, s3, s25, $0xb8;
	[tilespmem:$0x18100] =	vst v63  }
0x38: {  	_ =	swait.ge [sflag:s26], $0x4000  }
0x39: {  	[sflag:s26] =	ssyncset.done $0x0  }
0x3a: {  	[sflag:s26] =	ssyncadd.s32 $0xFFFFC000  }
0x3b: {  	[spmem:s2] =	stream.indirect.scatter.add.f32 [tilespmem:s23], [sflag:$0x2], $0x80, s25, s25, $0xb8;
	[tilespmem:$0x18100] =	vst v63  }
0x3c: {  	_ =	swait.ge [sflag:s24], $0x4000  }
0x3d: {  	s30 =	simm.s32 $0x20;
	s29 =	simm.s32 $0x10;
	[sflag:s24] =	ssyncset.done $0x0  }
.LBB2_2:
0x3e: {  	s31 =	sadd.s32 s29, s22  }
0x3f: {  	[sflag:s24] =	ssyncadd.s32 $0xFFFFC000;
	s0 =	smov.u32 s30;
	s4 =	sadd.s32 $0x10, s30  }
0x40: {  	[tilespmem:s3], [sflag:$0x2] =	stream.linear.gather [hbm4b:s31+s3], $0x80, $0x38;
	[tilespmem:$0x18100] =	vst v63  }
0x41: {  	p0 =	sne.s32 s30, $0x4E0;
	_ =	swait.ge [sflag:s24], $0x80  }
0x42: {  	[sflag:s24] =	ssyncset.done $0x0  }
0x43: {  	s30 =	sadd.s32 s29, s21;
	s29 =	smov.u32 s0;
	[sflag:s24] =	ssyncadd.s32 $0xFFFFFF80  }
0x44: {  	[tilespmem:s25], [sflag:$0x2] =	stream.linear.gather [hbm4b:s30+s3], $0x80, $0x38;
	[tilespmem:$0x18100] =	vst v63  }
0x45: {  	_ =	swait.ge [sflag:s24], $0x80  }
0x46: {  	[sflag:s24] =	ssyncset.done $0x0  }
0x47: {  	[sflag:s24] =	ssyncadd.s32 $0xFFFFFF80  }
0x48: {  	[tilespmem:s23], [sflag:$0x1] =	stream.indirect.gather [hbm4b:s1+s25], $0x80, s3, s25, $0xb8;
	[tilespmem:$0x18100] =	vst v63  }
0x49: {  	_ =	swait.ge [sflag:s26], $0x4000  }
.Ltmp0:
0x4a: {  	[sflag:s26] =	ssyncset.done $0x0;
	(pc) =	sbr.rel @p0 .LBB2_2-.Ltmp0, $4  }
0x4b: {  	[sflag:s26] =	ssyncadd.s32 $0xFFFFC000  }
0x4c: {  	[spmem:s2] =	stream.indirect.scatter.add.f32 [tilespmem:s23], [sflag:$0x2], $0x80, s25, s25, $0xb8;
	[tilespmem:$0x18100] =	vst v63  }
0x4d: {  	_ =	swait.ge [sflag:s24], $0x4000  }
0x4e: {  	s30 =	smov.u32 s4;
	[sflag:s24] =	ssyncset.done $0x0  }
0x4f: {  	s0 =	sadd.s32 s29, s22;
	[sflag:s24] =	ssyncadd.s32 $0xFFFFC000  }
0x50: {  	[tilespmem:s3], [sflag:$0x2] =	stream.linear.gather [hbm4b:s0+s3], $0x80, $0x38;
	[tilespmem:$0x18100] =	vst v63  }
0x51: {  	_ =	swait.ge [sflag:s24], $0x80  }
0x52: {  	[sflag:s24] =	ssyncset.done $0x0  }
0x53: {  	s31 =	sadd.s32 s29, s21;
	[sflag:s24] =	ssyncadd.s32 $0xFFFFFF80  }
0x54: {  	[tilespmem:s25], [sflag:$0x2] =	stream.linear.gather [hbm4b:s31+s3], $0x80, $0x38;
	[tilespmem:$0x18100] =	vst v63  }
0x55: {  	_ =	swait.ge [sflag:s24], $0x80  }
0x56: {  	[sflag:s24] =	ssyncset.done $0x0  }
0x57: {  	[sflag:s24] =	ssyncadd.s32 $0xFFFFFF80  }
0x58: {  	[tilespmem:s23], [sflag:$0x1] =	stream.indirect.gather [hbm4b:s1+s25], $0x80, s3, s25, $0xb8;
	[tilespmem:$0x18100] =	vst v63  }
0x59: {  	_ =	swait.ge [sflag:s26], $0x4000  }
0x5a: {  	[sflag:s26] =	ssyncset.done $0x0  }
0x5b: {  	[sflag:s26] =	ssyncadd.s32 $0xFFFFC000  }
0x5c: {  	[spmem:s2] =	stream.indirect.scatter.add.f32 [tilespmem:s23], [sflag:$0x2], $0x80, s25, s25, $0xb8;
	[tilespmem:$0x18100] =	vst v63  }
0x5d: {  	_ =	swait.ge [sflag:s24], $0x4000  }
0x5e: {  	[sflag:s24] =	ssyncset.done $0x0  }
0x5f: {  	[sflag:s24] =	ssyncadd.s32 $0xFFFFC000  }
0x60: {  	[bflag:$0x0] =	sbarrier.arrive $0xFFFF  }
0x61: {  	[tilespmem:s23], [sflag:$0x2] =	stream.linear.gather [spmem:s6], $0x4000, $0x38;
	[tilespmem:$0x18100] =	vst v63  }
0x62: {  	_ =	swait.ge [sflag:s24], $0x4000  }
0x63: {  	[sflag:s24] =	ssyncset.done $0x0  }
0x64: {  	[sflag:s24] =	ssyncadd.s32 $0xFFFFC000  }
0x65: {  	[hbm4b:s12+s3] =	stream.linear.scatter [tilespmem:s23], [sflag:$0x2], $0x4000, $0x38;
	[tilespmem:$0x18100] =	vst v63  }
0x66: {  	_ =	swait.ge [sflag:s24], $0x4000  }
0x67: {  	[sflag:s24] =	ssyncset.done $0x0  }
0x68: {  	[sflag:s24] =	ssyncadd.s32 $0xFFFFC000  }
0x69: {  	[tilespmem:s23], [sflag:$0x2] =	stream.linear.gather [spmem:s13], $0x4000, $0x38;
	[tilespmem:$0x18100] =	vst v63  }
0x6a: {  	_ =	swait.ge [sflag:s24], $0x4000  }
0x6b: {  	[sflag:s24] =	ssyncset.done $0x0  }
0x6c: {  	[sflag:s24] =	ssyncadd.s32 $0xFFFFC000  }
0x6d: {  	[hbm4b:s14+s3] =	stream.linear.scatter [tilespmem:s23], [sflag:$0x2], $0x4000, $0x38;
	[tilespmem:$0x18100] =	vst v63  }
0x6e: {  	_ =	swait.ge [sflag:s24], $0x4000  }
0x6f: {  	[sflag:s24] =	ssyncset.done $0x0  }
0x70: {  	[sflag:s24] =	ssyncadd.s32 $0xFFFFC000  }
0x71: {  	[tilespmem:s23], [sflag:$0x2] =	stream.linear.gather [spmem:s15], $0x4000, $0x38;
	[tilespmem:$0x18100] =	vst v63  }
0x72: {  	_ =	swait.ge [sflag:s24], $0x4000  }
0x73: {  	[sflag:s24] =	ssyncset.done $0x0  }
0x74: {  	[sflag:s24] =	ssyncadd.s32 $0xFFFFC000  }
0x75: {  	[hbm4b:s16+s3] =	stream.linear.scatter [tilespmem:s23], [sflag:$0x2], $0x4000, $0x38;
	[tilespmem:$0x18100] =	vst v63  }
0x76: {  	_ =	swait.ge [sflag:s24], $0x4000  }
0x77: {  	[sflag:s24] =	ssyncset.done $0x0  }
0x78: {  	[sflag:s24] =	ssyncadd.s32 $0xFFFFC000  }
0x79: {  	[tilespmem:s23], [sflag:$0x2] =	stream.linear.gather [spmem:s17], $0x4000, $0x38;
	[tilespmem:$0x18100] =	vst v63  }
0x7a: {  	_ =	swait.ge [sflag:s24], $0x4000  }
0x7b: {  	[sflag:s24] =	ssyncset.done $0x0  }
0x7c: {  	[sflag:s24] =	ssyncadd.s32 $0xFFFFC000  }
0x7d: {  	[hbm4b:s18+s3] =	stream.linear.scatter [tilespmem:s23], [sflag:$0x2], $0x4000, $0x38;
	[tilespmem:$0x18100] =	vst v63  }
0x7e: {  	_ =	swait.ge [sflag:s24], $0x4000  }
0x7f: {  	[sflag:s24] =	ssyncset.done $0x0  }
0x80: {  	[sflag:s24] =	ssyncadd.s32 $0xFFFFC000  }
0x81: {  	[tilespmem:s23], [sflag:$0x2] =	stream.linear.gather [spmem:s19], $0x4000, $0x38;
	[tilespmem:$0x18100] =	vst v63  }
0x82: {  	s28 =	sadd.s32 $0x1, s28;
	_ =	swait.ge [sflag:s24], $0x4000  }
0x83: {  	p0 =	sne.s32 s28, s7;
	[sflag:s24] =	ssyncset.done $0x0  }
.Ltmp1:
0x84: {  	[sflag:s24] =	ssyncadd.s32 $0xFFFFC000;
	(pc) =	sbr.rel @p0 .LBB2_1-.Ltmp1, $4  }
0x85: {  	[hbm4b:s20+s3] =	stream.linear.scatter [tilespmem:s23], [sflag:$0x2], $0x4000, $0x38;
	[tilespmem:$0x18100] =	vst v63  }
0x86: {  	_ =	swait.ge [sflag:s24], $0x4000  }
0x87: {  	[sflag:s24] =	ssyncset.done $0x0  }
0x88: {  	[sflag:s24] =	ssyncadd.s32 $0xFFFFC000  }
0x89: {  	_ =	sfence.sel $0x180000  }
0x8a: {  	[bflag:$0x0] =	sbarrier.arrive $0xFFFF  }
0x8b: {  	_ =	strace $0x9000004A  }
0x8c: {  	s0 =	stileid.u32;
	[bflag:$0x2] =	sbarrier.arrive $0xFFFF  }
0x8d: {  	p0 =	sne.s32 s0, $0x0;
	s0 =	rddreg [dreg:$0x3]  }
0x8e: {  	s0 =	sadd.s32 @!p0 $0x100000, s0  }
0x8f: {  	[sflag:s0] =	ssyncadd.tile.s32 @!p0 $0x1;
	_ =	shalt  }
.Lfunc_end2:
_tile_overlayer_lowered:
.L_overlay_start_2:
0x90: {  	(tag) =	ssettag $0x2  }
0x91: {  	s0 =	rddreg [dreg:$0x0];
	s2 =	stileid.u32  }
0x92: {  	s1 =	rddreg [dreg:$0x1];
	p0 =	sne.s32 s2, $0x0  }
0x93: {  	s3 =	rddreg [dreg:$0x2];
	[bflag:$0x3] =	sbarrier.arrive $0xFFFF;
	s2 =	simm.s32 @!p0 $0x1C02  }
0x94: {  	[timem:s3], [sflag:s2] =	dma.local @!p0 [hbm:s0], s1  }
0x95: {  	s0 =	simm.s32 @!p0 $0x2  }
0x96: {  	_ =	swait.ge @!p0 [sflag:s0], s1  }
0x97: {  	s1 =	ssub.s32 @!p0 $0x0, s1;
	[sflag:s0] =	ssyncset.done @!p0 $0x0  }
0x98: {  	[sflag:s0] =	ssyncadd.s32 @!p0 s1  }
0x99: {  	[bflag:$0x3] =	sbarrier.arrive $0xFFFF  }
0x9a: {  	_ =	shalt  }

</sc_bundles>
